<compile_context>
chip_gen: v7x
topology: tpu7x:2x2x1
jax: 0.10.2.dev20260603
libtpu: 0.0.44.dev20260713+nightly
codegen_flags: <defaults>
</compile_context>

<pallas_src>
import functools

import jax
import jax.numpy as jnp
from jax import lax
from jax.experimental import pallas as pl
from jax.experimental.pallas import tpu as pltpu
from jax.experimental.pallas import tpu_sc as plsc

N = 10000
D = 128
HD = D // 2
E = 320000
NC = 2
NS = 16
CHUNK = 128
NCHUNK = 160
HCH = 32
NPIECE = NCHUNK // HCH
NBUF = 4
LAG = 2
NGRP = HCH // NBUF
E_PAD = NS * NCHUNK * CHUNK
NPAD = 10240
ROWS_PT = NPAD // NS
DUMMY_LO = N


def _seg_body(with_counts, x2_hbm, src_hbm, dst_hbm, psum_hbm, *rest):
    if with_counts:
        (pcnt_hbm, x_sh, acc_sh, cnt_sh, src_v, dst_v, rows, gsems, ssems,
         ones_v, czv) = rest
    else:
        (x_sh, acc_sh, src_v, dst_v, rows, gsems, ssems) = rest
        ones_v = czv = None
    c = lax.axis_index("c")
    s = lax.axis_index("s")

    zero16 = jnp.zeros((16,), jnp.float32)

    def _zrows(i, _):
        rows[0][i // (HD // 16), pl.ds((i % (HD // 16)) * 16, 16)] = zero16
        return 0
    lax.fori_loop(0, CHUNK * (HD // 16), _zrows, 0)

    if with_counts:
        one16 = jnp.ones((16,), jnp.float32)

        def _ones(i, _):
            ones_v[pl.ds(i * 16, 16)] = one16
            return 0
        lax.fori_loop(0, CHUNK // 16, _ones, 0)

        def _zc(i, _):
            czv[pl.ds(i * 16, 16)] = zero16
            return 0
        lax.fori_loop(0, ROWS_PT // 16, _zc, 0)

    pltpu.sync_copy(x2_hbm.at[c, pl.ds(s * ROWS_PT, ROWS_PT)],
                    x_sh.at[pl.ds(s * ROWS_PT, ROWS_PT)])

    def _zslab(k, _):
        pltpu.sync_copy(rows[0],
                        acc_sh.at[pl.ds(s * ROWS_PT + k * CHUNK, CHUNK)])
        return 0
    lax.fori_loop(0, ROWS_PT // CHUNK, _zslab, 0)
    if with_counts:
        pltpu.sync_copy(czv, cnt_sh.at[pl.ds(s * ROWS_PT, ROWS_PT)])
    plsc.subcore_barrier()

    def _start_gather(j, b):
        pltpu.async_copy(x_sh.at[src_v.at[j]], rows[b], gsems[b])

    def _wait_gather(j, b):
        pltpu.make_async_copy(x_sh.at[src_v.at[j]], rows[b],
                              gsems[b]).wait()

    def _start_scat(j, b):
        pltpu.async_copy(rows[b], acc_sh.at[dst_v.at[j]], ssems[b], add=True)

    def _wait_scat(j, b):
        pltpu.make_async_copy(rows[b], acc_sh.at[dst_v.at[j]],
                              ssems[b]).wait()

    def _counts(t):
        if with_counts:
            @pl.when((t + c) % 2 == 0)
            def _():
                pltpu.sync_copy(ones_v, cnt_sh.at[dst_v.at[t]], add=True)

    def _piece(p, _):
        base = pl.multiple_of(p * HCH, 8)
        pltpu.sync_copy(src_hbm.at[s, pl.ds(base, HCH)], src_v)
        pltpu.sync_copy(dst_hbm.at[s, pl.ds(base, HCH)], dst_v)
        for b in range(LAG):
            _start_gather(b, b)

        def _grp_body(gi, carry):
            for b in range(NBUF):
                t = gi * NBUF + b
                _wait_gather(t, b)
                _start_scat(t, b)
                _counts(t)
                pb = (b + LAG) % NBUF
                nxt = t + LAG
                if b < NBUF - LAG:
                    @pl.when(gi > 0)
                    def _():
                        _wait_scat(t - 1, pb)
                        _start_gather(nxt, pb)

                    @pl.when(gi == 0)
                    def _():
                        _start_gather(nxt, pb)
                else:
                    @pl.when(nxt < HCH)
                    def _():
                        _wait_scat(t - 1, pb)
                        _start_gather(nxt, pb)
            return carry
        lax.fori_loop(0, NGRP, _grp_body, 0)
        for b in range(NBUF):
            _wait_scat(HCH - NBUF + b, (HCH - NBUF + b) % NBUF)
        return 0
    lax.fori_loop(0, NPIECE, _piece, 0)
    plsc.subcore_barrier()

    pltpu.sync_copy(acc_sh.at[pl.ds(s * ROWS_PT, ROWS_PT)],
                    psum_hbm.at[c, pl.ds(s * ROWS_PT, ROWS_PT)])
    if with_counts:
        pltpu.sync_copy(cnt_sh.at[pl.ds(s * ROWS_PT, ROWS_PT)],
                        pcnt_hbm.at[c, pl.ds(s * ROWS_PT, ROWS_PT)])


def _make_seg_sum(with_counts):
    out_type = [jax.ShapeDtypeStruct((NC, NPAD, HD), jnp.float32)]
    scratch = [pltpu.VMEM_SHARED((NPAD, HD), jnp.float32),
               pltpu.VMEM_SHARED((NPAD, HD), jnp.float32)]
    if with_counts:
        out_type.append(jax.ShapeDtypeStruct((NC, NPAD), jnp.float32))
        scratch.append(pltpu.VMEM_SHARED((NPAD,), jnp.float32))
    scratch += [
        pltpu.VMEM((HCH, CHUNK), jnp.int32),
        pltpu.VMEM((HCH, CHUNK), jnp.int32),
        [pltpu.VMEM((CHUNK, HD), jnp.float32) for _ in range(NBUF)],
        [pltpu.SemaphoreType.DMA for _ in range(NBUF)],
        [pltpu.SemaphoreType.DMA for _ in range(NBUF)],
    ]
    if with_counts:
        scratch += [
            pltpu.VMEM((CHUNK,), jnp.float32),
            pltpu.VMEM((ROWS_PT,), jnp.float32),
        ]
    return pl.kernel(
        functools.partial(_seg_body, with_counts),
        out_type=tuple(out_type),
        mesh=plsc.VectorSubcoreMesh(core_axis_name="c", subcore_axis_name="s",
                                    num_cores=NC, num_subcores=NS),
        scratch_types=scratch,
        compiler_params=pltpu.CompilerParams(use_tc_tiling_on_sc=False),
    )


_seg_sum_cnt = _make_seg_sum(True)
_seg_sum = _make_seg_sum(False)


BLK = 1280


def _split_body(x_ref, o_ref):
    o_ref[0] = x_ref[:, :HD]
    o_ref[1] = x_ref[:, HD:]


_xsplit = pl.pallas_call(
    _split_body,
    grid=(NPAD // BLK,),
    in_specs=[pl.BlockSpec((BLK, D), lambda i: (i, 0))],
    out_specs=pl.BlockSpec((NC, BLK, HD), lambda i: (0, i, 0)),
    out_shape=jax.ShapeDtypeStruct((NC, NPAD, HD), jnp.float32),
)


def _layer_body(relu, p_ref, c_ref, x_ref, wl_ref, bl_ref, wr_ref, *outs):
    i = pl.program_id(0)
    cnt = c_ref[0, pl.ds(i * BLK, BLK)] + c_ref[1, pl.ds(i * BLK, BLK)]
    recip = 1.0 / jnp.maximum(cnt, 1.0)
    mean = jnp.concatenate([p_ref[0], p_ref[1]], axis=-1) * recip[:, None]
    t = (jnp.dot(mean, wl_ref[...], preferred_element_type=jnp.float32)
         + jnp.dot(x_ref[...], wr_ref[...], preferred_element_type=jnp.float32)
         + bl_ref[...])
    if relu:
        t = jnp.maximum(t, 0.0)
        outs[0][...] = t
        outs[1][0] = t[:, :HD]
        outs[1][1] = t[:, HD:]
    else:
        outs[0][...] = t


def _make_layer(relu):
    out_specs = [pl.BlockSpec((BLK, D), lambda i: (i, 0))]
    out_shape = [jax.ShapeDtypeStruct((NPAD, D), jnp.float32)]
    if relu:
        out_specs.append(pl.BlockSpec((NC, BLK, HD), lambda i: (0, i, 0)))
        out_shape.append(jax.ShapeDtypeStruct((NC, NPAD, HD), jnp.float32))
    return pl.pallas_call(
        functools.partial(_layer_body, relu),
        grid=(NPAD // BLK,),
        in_specs=[
            pl.BlockSpec((NC, BLK, HD), lambda i: (0, i, 0)),
            pl.BlockSpec((NC, NPAD), lambda i: (0, 0)),
            pl.BlockSpec((BLK, D), lambda i: (i, 0)),
            pl.BlockSpec((D, D), lambda i: (0, 0)),
            pl.BlockSpec((1, D), lambda i: (0, 0)),
            pl.BlockSpec((D, D), lambda i: (0, 0)),
        ],
        out_specs=out_specs,
        out_shape=out_shape,
    )


_layer_relu = _make_layer(True)
_layer_lin = _make_layer(False)


def kernel(x, edge_index, Wl1, bl1, Wr1, Wl2, bl2, Wr2):
    pad = E_PAD - E
    src = jnp.concatenate(
        [edge_index[0], jnp.zeros((pad,), jnp.int32)]).reshape(
            NS, NCHUNK, CHUNK)
    dst = jnp.concatenate(
        [edge_index[1],
         DUMMY_LO + (jnp.arange(pad, dtype=jnp.int32) % (NPAD - N))]).reshape(
            NS, NCHUNK, CHUNK)
    x2 = _xsplit(x)
    p1, c1 = _seg_sum_cnt(x2, src, dst)
    h, h2 = _layer_relu(p1, c1, x, Wl1, bl1.reshape(1, D), Wr1)
    (p2,) = _seg_sum(h2, src, dst)
    (out,) = _layer_lin(p2, c1, h, Wl2, bl2.reshape(1, D), Wr2)
    return out[:N]

# --- scband reference (transcript-rebuilt; emitter-appended) ---
"""Pipeline reference for scband-graph-sage-7327214207545 (READ-ONLY COPY).

The authoritative reference and input builder live on the scoring server;
editing this copy changes nothing except your own understanding.
"""

import jax, jax.numpy as jnp
import numpy as np

N_NODES = 10000
N_EDGES = 320000
D_IN = 128
D_HID = 128


def setup_inputs(seed: int = 0) -> dict:
    key = jax.random.key(seed)
    ks = jax.random.split(key, 9)
    x = jax.random.normal(ks[0], (N_NODES, D_IN), dtype=jnp.float32)
    edge_index = jax.random.randint(ks[1], (2, N_EDGES), 0, N_NODES, dtype=jnp.int32)
    # SAGEConv layer 1 params: lin_l (on aggregated neighbors, with bias), lin_r (on root, no bias)
    Wl1 = jax.random.normal(ks[2], (D_IN, D_HID), dtype=jnp.float32) * 0.05
    bl1 = jnp.zeros((D_HID,), dtype=jnp.float32)
    Wr1 = jax.random.normal(ks[3], (D_IN, D_HID), dtype=jnp.float32) * 0.05
    # SAGEConv layer 2 params
    Wl2 = jax.random.normal(ks[4], (D_HID, D_HID), dtype=jnp.float32) * 0.05
    bl2 = jnp.zeros((D_HID,), dtype=jnp.float32)
    Wr2 = jax.random.normal(ks[5], (D_HID, D_HID), dtype=jnp.float32) * 0.05
    return {"x": x, "edge_index": edge_index, "Wl1": Wl1, "bl1": bl1, "Wr1": Wr1, "Wl2": Wl2, "bl2": bl2, "Wr2": Wr2}


def _sage_conv(x, src, dst, Wl, bl, Wr, num_nodes):
    # message: x_j from source nodes, mean-aggregated at destination nodes
    msgs = x[src]
    summed = jax.ops.segment_sum(msgs, dst, num_segments=num_nodes)
    counts = jax.ops.segment_sum(jnp.ones(src.shape[0], dtype=x.dtype), dst, num_segments=num_nodes)
    mean = summed / jnp.maximum(counts, 1.0)[:, None]
    return mean @ Wl + bl + x @ Wr


def reference(x, edge_index, Wl1, bl1, Wr1, Wl2, bl2, Wr2):
    src = edge_index[0]
    dst = edge_index[1]
    n = x.shape[0]
    h = _sage_conv(x, src, dst, Wl1, bl1, Wr1, n)
    h = jax.nn.relu(h)  # activation between layers; dropout_rate=0 -> Identity
    h = _sage_conv(h, src, dst, Wl2, bl2, Wr2, n)
    return h

if __name__ == "__main__":
    import jax
    _d = setup_inputs()
    print(jax.jit(kernel)(*tuple(_d.values())))

</pallas_src>

<mosaic_0001>
#map = affine_map<(d0, d1) -> (0, 0, 0)>
module attributes {stable_mosaic.version = 14 : i64} {
  func.func @_seg_body(%arg0: i32, %arg1: i32, %arg2: memref<2x10240x64xf32, #tpu.memory_space<hbm>>, %arg3: memref<16x160x128xi32, #tpu.memory_space<hbm>>, %arg4: memref<16x160x128xi32, #tpu.memory_space<hbm>>, %arg5: memref<2x10240x64xf32, #tpu.memory_space<hbm>>, %arg6: memref<10240x64xf32, #tpu.memory_space<vmem_shared>>, %arg7: memref<10240x64xf32, #tpu.memory_space<vmem_shared>>, %arg8: memref<32x128xi32, #tpu.memory_space<vmem>>, %arg9: memref<32x128xi32, #tpu.memory_space<vmem>>, %arg10: memref<128x64xf32, #tpu.memory_space<vmem>>, %arg11: memref<128x64xf32, #tpu.memory_space<vmem>>, %arg12: memref<128x64xf32, #tpu.memory_space<vmem>>, %arg13: memref<128x64xf32, #tpu.memory_space<vmem>>, %arg14: memref<!tpu.dma_semaphore, #tpu.memory_space<semaphore_mem>>, %arg15: memref<!tpu.dma_semaphore, #tpu.memory_space<semaphore_mem>>, %arg16: memref<!tpu.dma_semaphore, #tpu.memory_space<semaphore_mem>>, %arg17: memref<!tpu.dma_semaphore, #tpu.memory_space<semaphore_mem>>, %arg18: memref<!tpu.dma_semaphore, #tpu.memory_space<semaphore_mem>>, %arg19: memref<!tpu.dma_semaphore, #tpu.memory_space<semaphore_mem>>, %arg20: memref<!tpu.dma_semaphore, #tpu.memory_space<semaphore_mem>>, %arg21: memref<!tpu.dma_semaphore, #tpu.memory_space<semaphore_mem>>) attributes {dimension_semantics = [#tpu.dimension_semantics<core_parallel>, #tpu.dimension_semantics<subcore_parallel>], iteration_bounds = array<i64: 2, 16>, scalar_prefetch = 0 : i64, scratch_operands = 16 : i64, tpu.core_type = #tpu.core_type<sc_vector_subcore>, window_params = [{transform_indices = #map}, {transform_indices = #map}, {transform_indices = #map}, {transform_indices = #map}]} {
    %broadcast_in_dim3A = arith.constant 0.000000e+00 : f32
    %broadcast_in_dim3A_0 = vector.broadcast %broadcast_in_dim3A : f32 to vector<16xf32>
    %scan3A = arith.constant 0 : i32
    %scan3A_1 = arith.constant 0 : i32
    %scan3A_2 = arith.constant 512 : i32
    %scan3A_3 = arith.addi %scan3A_1, %scan3A_2 : i32
    %scan3A_4 = arith.constant 1 : i32
    %scan3A_5 = scf.for %scan3A_29 = %scan3A_1 to %scan3A_3 step %scan3A_4 iter_args(%scan3A_30 = %scan3A) -> (i32)  : i32 {
      %jit3A = arith.constant 4 : i32
      %div3A = arith.divsi %scan3A_29, %jit3A : i32
      %sign3A = arith.constant 0 : i32
      %sign3A_31 = arith.cmpi sgt, %scan3A_29, %sign3A : i32
      %sign3A_32 = arith.extui %sign3A_31 : i1 to i32
      %sign3A_33 = arith.constant 0 : i32
      %sign3A_34 = arith.cmpi slt, %scan3A_29, %sign3A_33 : i32
      %sign3A_35 = arith.extui %sign3A_34 : i1 to i32
      %sign3A_36 = arith.subi %sign3A_32, %sign3A_35 : i32
      %sign3A_37 = arith.constant 0 : i32
      %sign3A_38 = arith.cmpi sgt, %jit3A, %sign3A_37 : i32
      %sign3A_39 = arith.extui %sign3A_38 : i1 to i32
      %sign3A_40 = arith.constant 0 : i32
      %sign3A_41 = arith.cmpi slt, %jit3A, %sign3A_40 : i32
      %sign3A_42 = arith.extui %sign3A_41 : i1 to i32
      %sign3A_43 = arith.subi %sign3A_39, %sign3A_42 : i32
      %ne3A = arith.cmpi ne, %sign3A_36, %sign3A_43 : i32
      %rem3A = arith.remsi %scan3A_29, %jit3A : i32
      %ne3A_44 = arith.constant 0 : i32
      %ne3A_45 = arith.cmpi ne, %rem3A, %ne3A_44 : i32
      %and3A = arith.andi %ne3A, %ne3A_45 : i1
      %sub3A = arith.constant 1 : i32
      %sub3A_46 = arith.subi %div3A, %sub3A : i32
      %select_n3A = arith.select %and3A, %sub3A_46, %div3A : i32
      %jit3A_47 = arith.constant 4 : i32
      %eq3A = arith.constant 0 : i32
      %eq3A_48 = arith.cmpi eq, %jit3A_47, %eq3A : i32
      %jit3A_49 = arith.constant 1 : i32
      %select_n3A_50 = arith.select %eq3A_48, %jit3A_49, %jit3A_47 : i32
      %rem3A_51 = arith.remsi %scan3A_29, %select_n3A_50 : i32
      %ne3A_52 = arith.constant 0 : i32
      %ne3A_53 = arith.cmpi ne, %rem3A_51, %ne3A_52 : i32
      %lt3A = arith.constant 0 : i32
      %lt3A_54 = arith.cmpi slt, %rem3A_51, %lt3A : i32
      %lt3A_55 = arith.constant 0 : i32
      %lt3A_56 = arith.cmpi slt, %select_n3A_50, %lt3A_55 : i32
      %ne3A_57 = arith.xori %lt3A_54, %lt3A_56 : i1
      %and3A_58 = arith.andi %ne3A_57, %ne3A_53 : i1
      %add3A = arith.addi %rem3A_51, %select_n3A_50 : i32
      %select_n3A_59 = arith.select %and3A_58, %add3A, %rem3A_51 : i32
      %mul3A_60 = arith.constant 16 : i32
      %mul3A_61 = arith.muli %select_n3A_59, %mul3A_60 : i32
      %swap3A = arith.index_cast %select_n3A : i32 to index
      %swap3A_62 = arith.index_cast %mul3A_61 : i32 to index
      %swap3A_63 = tpu.vector_load %arg10[%swap3A, %swap3A_62] {strides = array<i32>} : memref<128x64xf32, #tpu.memory_space<vmem>>, vector<1x16xf32>,
      %swap3A_64 = vector.shape_cast %swap3A_63 : vector<1x16xf32> to vector<16xf32>
      %swap3A_65 = vector.shape_cast %broadcast_in_dim3A_0 : vector<16xf32> to vector<1x16xf32>
      tpu.vector_store %arg10[%swap3A, %swap3A_62], %swap3A_65 {strides = array<i32>} : memref<128x64xf32, #tpu.memory_space<vmem>>, vector<1x16xf32>,
      %scan3A_66 = arith.constant 0 : i32
      scf.yield %scan3A_66 : i32
    }
    %scan3A_6 = arith.constant 512 : i32
    %mul3A = arith.constant 640 : i32
    %mul3A_7 = arith.muli %arg1, %mul3A : i32
    %mul3A_8 = arith.constant 640 : i32
    %mul3A_9 = arith.muli %arg1, %mul3A_8 : i32
    "tpu.region"() ({
      %run_scoped3A = tpu.sem_alloc : memref<!tpu.dma_semaphore, #tpu.memory_space<semaphore_mem>>
      %dma_start3A = arith.constant 0 : i32
      %dma_start3A_29 = tpu.memref_slice %arg6[%mul3A_9, %dma_start3A] : memref<10240x64xf32, #tpu.memory_space<vmem_shared>> -> memref<640x64xf32, #tpu.memory_space<vmem_shared>>
      %dma_start3A_30 = arith.constant 0 : i32
      %dma_start3A_31 = tpu.memref_slice %arg2[%arg0, %mul3A_7, %dma_start3A_30] : memref<2x10240x64xf32, #tpu.memory_space<hbm>> -> memref<1x640x64xf32, #tpu.memory_space<hbm>>
      %dma_start3A_32 = tpu.memref_squeeze %dma_start3A_31 : memref<1x640x64xf32, #tpu.memory_space<hbm>> -> memref<640x64xf32, #tpu.memory_space<hbm>>
      tpu.enqueue_dma source(%dma_start3A_32 : memref<640x64xf32, #tpu.memory_space<hbm>>) target(%dma_start3A_29 : memref<640x64xf32, #tpu.memory_space<vmem_shared>>) target_semaphore(%run_scoped3A : memref<!tpu.dma_semaphore, #tpu.memory_space<semaphore_mem>>)
      %dma_wait3A = arith.constant 0 : i32
      %dma_wait3A_33 = tpu.memref_slice %arg6[%mul3A_9, %dma_wait3A] : memref<10240x64xf32, #tpu.memory_space<vmem_shared>> -> memref<640x64xf32, #tpu.memory_space<vmem_shared>>
      %dma_wait3A_34 = arith.constant 0 : i32
      %dma_wait3A_35 = tpu.memref_slice %arg2[%arg0, %mul3A_7, %dma_wait3A_34] : memref<2x10240x64xf32, #tpu.memory_space<hbm>> -> memref<1x640x64xf32, #tpu.memory_space<hbm>>
      %dma_wait3A_36 = tpu.memref_squeeze %dma_wait3A_35 : memref<1x640x64xf32, #tpu.memory_space<hbm>> -> memref<640x64xf32, #tpu.memory_space<hbm>>
      tpu.wait_dma2 semaphore(%run_scoped3A : memref<!tpu.dma_semaphore, #tpu.memory_space<semaphore_mem>>) src(%dma_wait3A_36 : memref<640x64xf32, #tpu.memory_space<hbm>>) dst(%dma_wait3A_33 : memref<640x64xf32, #tpu.memory_space<vmem_shared>>)
      tpu.yield
    }) : () -> ()
    %scan3A_10 = arith.constant 0 : i32
    %scan3A_11 = arith.constant 0 : i32
    %scan3A_12 = arith.constant 5 : i32
    %scan3A_13 = arith.addi %scan3A_11, %scan3A_12 : i32
    %scan3A_14 = arith.constant 1 : i32
    %scan3A_15 = scf.for %scan3A_29 = %scan3A_11 to %scan3A_13 step %scan3A_14 iter_args(%scan3A_30 = %scan3A_10) -> (i32)  : i32 {
      %mul3A_31 = arith.constant 640 : i32
      %mul3A_32 = arith.muli %arg1, %mul3A_31 : i32
      %mul3A_33 = arith.constant 128 : i32
      %mul3A_34 = arith.muli %scan3A_29, %mul3A_33 : i32
      %add3A = arith.addi %mul3A_32, %mul3A_34 : i32
      "tpu.region"() ({
        %run_scoped3A = tpu.sem_alloc : memref<!tpu.dma_semaphore, #tpu.memory_space<semaphore_mem>>
        %dma_start3A = arith.constant 0 : i32
        %dma_start3A_36 = tpu.memref_slice %arg7[%add3A, %dma_start3A] : memref<10240x64xf32, #tpu.memory_space<vmem_shared>> -> memref<128x64xf32, #tpu.memory_space<vmem_shared>>
        %dma_start3A_37 = arith.constant 0 : i32
        %dma_start3A_38 = tpu.memref_slice %arg7[%add3A, %dma_start3A_37] : memref<10240x64xf32, #tpu.memory_space<vmem_shared>> -> memref<128x64xf32, #tpu.memory_space<vmem_shared>>
        tpu.enqueue_dma source(%arg10 : memref<128x64xf32, #tpu.memory_space<vmem>>) target(%dma_start3A_38 : memref<128x64xf32, #tpu.memory_space<vmem_shared>>) target_semaphore(%run_scoped3A : memref<!tpu.dma_semaphore, #tpu.memory_space<semaphore_mem>>)
        %dma_wait3A = arith.constant 0 : i32
        %dma_wait3A_39 = tpu.memref_slice %arg7[%add3A, %dma_wait3A] : memref<10240x64xf32, #tpu.memory_space<vmem_shared>> -> memref<128x64xf32, #tpu.memory_space<vmem_shared>>
        %dma_wait3A_40 = arith.constant 0 : i32
        %dma_wait3A_41 = tpu.memref_slice %arg7[%add3A, %dma_wait3A_40] : memref<10240x64xf32, #tpu.memory_space<vmem_shared>> -> memref<128x64xf32, #tpu.memory_space<vmem_shared>>
        tpu.wait_dma2 semaphore(%run_scoped3A : memref<!tpu.dma_semaphore, #tpu.memory_space<semaphore_mem>>) src(%arg10 : memref<128x64xf32, #tpu.memory_space<vmem>>) dst(%dma_wait3A_41 : memref<128x64xf32, #tpu.memory_space<vmem_shared>>)
        tpu.yield
      }) : () -> ()
      %scan3A_35 = arith.constant 0 : i32
      scf.yield %scan3A_35 : i32
    }
    %scan3A_16 = arith.constant 5 : i32
    %barrier3A = arith.constant 0 : index
    tpu.barrier barrier_id(%barrier3A)
    %scan3A_17 = arith.constant 0 : i32
    %scan3A_18 = arith.constant 0 : i32
    %scan3A_19 = arith.constant 5 : i32
    %scan3A_20 = arith.addi %scan3A_18, %scan3A_19 : i32
    %scan3A_21 = arith.constant 1 : i32
    %scan3A_22 = scf.for %scan3A_29 = %scan3A_18 to %scan3A_20 step %scan3A_21 iter_args(%scan3A_30 = %scan3A_17) -> (i32)  : i32 {
      %mul3A_31 = arith.constant 32 : i32
      %mul3A_32 = arith.muli %scan3A_29, %mul3A_31 : i32
      %multiple_of3A = tpu.assume_multiple %mul3A_32, 8 : i32
      "tpu.region"() ({
        %run_scoped3A = tpu.sem_alloc : memref<!tpu.dma_semaphore, #tpu.memory_space<semaphore_mem>>
        %dma_start3A_80 = arith.constant 0 : i32
        %dma_start3A_81 = tpu.memref_slice %arg3[%arg1, %multiple_of3A, %dma_start3A_80] : memref<16x160x128xi32, #tpu.memory_space<hbm>> -> memref<1x32x128xi32, #tpu.memory_space<hbm>>
        %dma_start3A_82 = tpu.memref_squeeze %dma_start3A_81 : memref<1x32x128xi32, #tpu.memory_space<hbm>> -> memref<32x128xi32, #tpu.memory_space<hbm>>
        %dma_start3A_83 = arith.constant 0 : i32
        %dma_start3A_84 = tpu.memref_slice %arg3[%arg1, %multiple_of3A, %dma_start3A_83] : memref<16x160x128xi32, #tpu.memory_space<hbm>> -> memref<1x32x128xi32, #tpu.memory_space<hbm>>
        %dma_start3A_85 = tpu.memref_squeeze %dma_start3A_84 : memref<1x32x128xi32, #tpu.memory_space<hbm>> -> memref<32x128xi32, #tpu.memory_space<hbm>>
        tpu.enqueue_dma source(%dma_start3A_85 : memref<32x128xi32, #tpu.memory_space<hbm>>) target(%arg8 : memref<32x128xi32, #tpu.memory_space<vmem>>) target_semaphore(%run_scoped3A : memref<!tpu.dma_semaphore, #tpu.memory_space<semaphore_mem>>)
        %dma_wait3A_86 = arith.constant 0 : i32
        %dma_wait3A_87 = tpu.memref_slice %arg3[%arg1, %multiple_of3A, %dma_wait3A_86] : memref<16x160x128xi32, #tpu.memory_space<hbm>> -> memref<1x32x128xi32, #tpu.memory_space<hbm>>
        %dma_wait3A_88 = tpu.memref_squeeze %dma_wait3A_87 : memref<1x32x128xi32, #tpu.memory_space<hbm>> -> memref<32x128xi32, #tpu.memory_space<hbm>>
        %dma_wait3A_89 = arith.constant 0 : i32
        %dma_wait3A_90 = tpu.memref_slice %arg3[%arg1, %multiple_of3A, %dma_wait3A_89] : memref<16x160x128xi32, #tpu.memory_space<hbm>> -> memref<1x32x128xi32, #tpu.memory_space<hbm>>
        %dma_wait3A_91 = tpu.memref_squeeze %dma_wait3A_90 : memref<1x32x128xi32, #tpu.memory_space<hbm>> -> memref<32x128xi32, #tpu.memory_space<hbm>>
        tpu.wait_dma2 semaphore(%run_scoped3A : memref<!tpu.dma_semaphore, #tpu.memory_space<semaphore_mem>>) src(%dma_wait3A_91 : memref<32x128xi32, #tpu.memory_space<hbm>>) dst(%arg8 : memref<32x128xi32, #tpu.memory_space<vmem>>)
        tpu.yield
      }) : () -> ()
      "tpu.region"() ({
        %run_scoped3A = tpu.sem_alloc : memref<!tpu.dma_semaphore, #tpu.memory_space<semaphore_mem>>
        %dma_start3A_80 = arith.constant 0 : i32
        %dma_start3A_81 = tpu.memref_slice %arg4[%arg1, %multiple_of3A, %dma_start3A_80] : memref<16x160x128xi32, #tpu.memory_space<hbm>> -> memref<1x32x128xi32, #tpu.memory_space<hbm>>
        %dma_start3A_82 = tpu.memref_squeeze %dma_start3A_81 : memref<1x32x128xi32, #tpu.memory_space<hbm>> -> memref<32x128xi32, #tpu.memory_space<hbm>>
        %dma_start3A_83 = arith.constant 0 : i32
        %dma_start3A_84 = tpu.memref_slice %arg4[%arg1, %multiple_of3A, %dma_start3A_83] : memref<16x160x128xi32, #tpu.memory_space<hbm>> -> memref<1x32x128xi32, #tpu.memory_space<hbm>>
        %dma_start3A_85 = tpu.memref_squeeze %dma_start3A_84 : memref<1x32x128xi32, #tpu.memory_space<hbm>> -> memref<32x128xi32, #tpu.memory_space<hbm>>
        tpu.enqueue_dma source(%dma_start3A_85 : memref<32x128xi32, #tpu.memory_space<hbm>>) target(%arg9 : memref<32x128xi32, #tpu.memory_space<vmem>>) target_semaphore(%run_scoped3A : memref<!tpu.dma_semaphore, #tpu.memory_space<semaphore_mem>>)
        %dma_wait3A_86 = arith.constant 0 : i32
        %dma_wait3A_87 = tpu.memref_slice %arg4[%arg1, %multiple_of3A, %dma_wait3A_86] : memref<16x160x128xi32, #tpu.memory_space<hbm>> -> memref<1x32x128xi32, #tpu.memory_space<hbm>>
        %dma_wait3A_88 = tpu.memref_squeeze %dma_wait3A_87 : memref<1x32x128xi32, #tpu.memory_space<hbm>> -> memref<32x128xi32, #tpu.memory_space<hbm>>
        %dma_wait3A_89 = arith.constant 0 : i32
        %dma_wait3A_90 = tpu.memref_slice %arg4[%arg1, %multiple_of3A, %dma_wait3A_89] : memref<16x160x128xi32, #tpu.memory_space<hbm>> -> memref<1x32x128xi32, #tpu.memory_space<hbm>>
        %dma_wait3A_91 = tpu.memref_squeeze %dma_wait3A_90 : memref<1x32x128xi32, #tpu.memory_space<hbm>> -> memref<32x128xi32, #tpu.memory_space<hbm>>
        tpu.wait_dma2 semaphore(%run_scoped3A : memref<!tpu.dma_semaphore, #tpu.memory_space<semaphore_mem>>) src(%dma_wait3A_91 : memref<32x128xi32, #tpu.memory_space<hbm>>) dst(%arg9 : memref<32x128xi32, #tpu.memory_space<vmem>>)
        tpu.yield
      }) : () -> ()
      %dma_start3A = arith.constant 0 : i32
      %dma_start3A_33 = arith.constant 0 : i32
      %dma_start3A_34 = tpu.memref_slice %arg8[%dma_start3A, %dma_start3A_33] : memref<32x128xi32, #tpu.memory_space<vmem>> -> memref<1x128xi32, #tpu.memory_space<vmem>>
      %dma_start3A_35 = tpu.memref_squeeze %dma_start3A_34 : memref<1x128xi32, #tpu.memory_space<vmem>> -> memref<128xi32, #tpu.memory_space<vmem>>
      %dma_start3A_36 = arith.constant 0 : i32
      %dma_start3A_37 = arith.constant 0 : i32
      %dma_start3A_38 = tpu.memref_slice %arg6[%dma_start3A_36, %dma_start3A_37] : memref<10240x64xf32, #tpu.memory_space<vmem_shared>> -> memref<10240x64xf32, #tpu.memory_space<vmem_shared>>
      tpu.enqueue_indirect_dma source(%dma_start3A_38 : memref<10240x64xf32, #tpu.memory_space<vmem_shared>>) target(%arg10 : memref<128x64xf32, #tpu.memory_space<vmem>>) offsets(%dma_start3A_35 : memref<128xi32, #tpu.memory_space<vmem>>) semaphore(%arg14 : memref<!tpu.dma_semaphore, #tpu.memory_space<semaphore_mem>>)
      %dma_start3A_39 = arith.constant 1 : i32
      %dma_start3A_40 = arith.constant 0 : i32
      %dma_start3A_41 = tpu.memref_slice %arg8[%dma_start3A_39, %dma_start3A_40] : memref<32x128xi32, #tpu.memory_space<vmem>> -> memref<1x128xi32, #tpu.memory_space<vmem>>
      %dma_start3A_42 = tpu.memref_squeeze %dma_start3A_41 : memref<1x128xi32, #tpu.memory_space<vmem>> -> memref<128xi32, #tpu.memory_space<vmem>>
      %dma_start3A_43 = arith.constant 0 : i32
      %dma_start3A_44 = arith.constant 0 : i32
      %dma_start3A_45 = tpu.memref_slice %arg6[%dma_start3A_43, %dma_start3A_44] : memref<10240x64xf32, #tpu.memory_space<vmem_shared>> -> memref<10240x64xf32, #tpu.memory_space<vmem_shared>>
      tpu.enqueue_indirect_dma source(%dma_start3A_45 : memref<10240x64xf32, #tpu.memory_space<vmem_shared>>) target(%arg11 : memref<128x64xf32, #tpu.memory_space<vmem>>) offsets(%dma_start3A_42 : memref<128xi32, #tpu.memory_space<vmem>>) semaphore(%arg15 : memref<!tpu.dma_semaphore, #tpu.memory_space<semaphore_mem>>)
      %scan3A_46 = arith.constant 0 : i32
      %scan3A_47 = arith.constant 0 : i32
      %scan3A_48 = arith.constant 8 : i32
      %scan3A_49 = arith.addi %scan3A_47, %scan3A_48 : i32
      %scan3A_50 = arith.constant 1 : i32
      scf.for %scan3A_80 = %scan3A_47 to %scan3A_49 step %scan3A_50  : i32 {
        %mul3A_81 = arith.constant 4 : i32
        %mul3A_82 = arith.muli %scan3A_80, %mul3A_81 : i32
        %add3A = arith.constant 0 : i32
        %add3A_83 = arith.addi %mul3A_82, %add3A : i32
        %dma_wait3A_84 = arith.constant 0 : i32
        %dma_wait3A_85 = tpu.memref_slice %arg8[%add3A_83, %dma_wait3A_84] : memref<32x128xi32, #tpu.memory_space<vmem>> -> memref<1x128xi32, #tpu.memory_space<vmem>>
        %dma_wait3A_86 = tpu.memref_squeeze %dma_wait3A_85 : memref<1x128xi32, #tpu.memory_space<vmem>> -> memref<128xi32, #tpu.memory_space<vmem>>
        %dma_wait3A_87 = arith.constant 0 : i32
        %dma_wait3A_88 = arith.constant 0 : i32
        %dma_wait3A_89 = tpu.memref_slice %arg6[%dma_wait3A_87, %dma_wait3A_88] : memref<10240x64xf32, #tpu.memory_space<vmem_shared>> -> memref<10240x64xf32, #tpu.memory_space<vmem_shared>>
        tpu.wait_indirect_dma semaphore(%arg14 : memref<!tpu.dma_semaphore, #tpu.memory_space<semaphore_mem>>) src(%dma_wait3A_89 : memref<10240x64xf32, #tpu.memory_space<vmem_shared>>) dst(%arg10 : memref<128x64xf32, #tpu.memory_space<vmem>>)
        %dma_start3A_90 = arith.constant 0 : i32
        %dma_start3A_91 = tpu.memref_slice %arg9[%add3A_83, %dma_start3A_90] : memref<32x128xi32, #tpu.memory_space<vmem>> -> memref<1x128xi32, #tpu.memory_space<vmem>>
        %dma_start3A_92 = tpu.memref_squeeze %dma_start3A_91 : memref<1x128xi32, #tpu.memory_space<vmem>> -> memref<128xi32, #tpu.memory_space<vmem>>
        %dma_start3A_93 = arith.constant 0 : i32
        %dma_start3A_94 = arith.constant 0 : i32
        %dma_start3A_95 = tpu.memref_slice %arg7[%dma_start3A_93, %dma_start3A_94] : memref<10240x64xf32, #tpu.memory_space<vmem_shared>> -> memref<10240x64xf32, #tpu.memory_space<vmem_shared>>
        tpu.enqueue_indirect_dma source(%arg10 : memref<128x64xf32, #tpu.memory_space<vmem>>) target(%dma_start3A_95 : memref<10240x64xf32, #tpu.memory_space<vmem_shared>>) offsets(%dma_start3A_92 : memref<128xi32, #tpu.memory_space<vmem>>) semaphore(%arg18 : memref<!tpu.dma_semaphore, #tpu.memory_space<semaphore_mem>>) {add = true}
        %add3A_96 = arith.constant 2 : i32
        %add3A_97 = arith.addi %add3A_83, %add3A_96 : i32
        %gt3A = arith.constant 0 : i32
        %gt3A_98 = arith.cmpi sgt, %scan3A_80, %gt3A : i32
        %convert_element_type3A = arith.extui %gt3A_98 : i1 to i32
        %cond3A = arith.constant 0 : i32
        %cond3A_99 = arith.cmpi ne, %convert_element_type3A, %cond3A : i32
        scf.if %cond3A_99 {
          %sub3A = arith.constant 1 : i32
          %sub3A_177 = arith.subi %add3A_83, %sub3A : i32
          %dma_wait3A_178 = arith.constant 0 : i32
          %dma_wait3A_179 = tpu.memref_slice %arg9[%sub3A_177, %dma_wait3A_178] : memref<32x128xi32, #tpu.memory_space<vmem>> -> memref<1x128xi32, #tpu.memory_space<vmem>>
          %dma_wait3A_180 = tpu.memref_squeeze %dma_wait3A_179 : memref<1x128xi32, #tpu.memory_space<vmem>> -> memref<128xi32, #tpu.memory_space<vmem>>
          %dma_wait3A_181 = arith.constant 0 : i32
          %dma_wait3A_182 = arith.constant 0 : i32
          %dma_wait3A_183 = tpu.memref_slice %arg7[%dma_wait3A_181, %dma_wait3A_182] : memref<10240x64xf32, #tpu.memory_space<vmem_shared>> -> memref<10240x64xf32, #tpu.memory_space<vmem_shared>>
          tpu.wait_indirect_dma semaphore(%arg20 : memref<!tpu.dma_semaphore, #tpu.memory_space<semaphore_mem>>) src(%arg12 : memref<128x64xf32, #tpu.memory_space<vmem>>) dst(%dma_wait3A_183 : memref<10240x64xf32, #tpu.memory_space<vmem_shared>>)
          %dma_start3A_184 = arith.constant 0 : i32
          %dma_start3A_185 = tpu.memref_slice %arg8[%add3A_97, %dma_start3A_184] : memref<32x128xi32, #tpu.memory_space<vmem>> -> memref<1x128xi32, #tpu.memory_space<vmem>>
          %dma_start3A_186 = tpu.memref_squeeze %dma_start3A_185 : memref<1x128xi32, #tpu.memory_space<vmem>> -> memref<128xi32, #tpu.memory_space<vmem>>
          %dma_start3A_187 = arith.constant 0 : i32
          %dma_start3A_188 = arith.constant 0 : i32
          %dma_start3A_189 = tpu.memref_slice %arg6[%dma_start3A_187, %dma_start3A_188] : memref<10240x64xf32, #tpu.memory_space<vmem_shared>> -> memref<10240x64xf32, #tpu.memory_space<vmem_shared>>
          tpu.enqueue_indirect_dma source(%dma_start3A_189 : memref<10240x64xf32, #tpu.memory_space<vmem_shared>>) target(%arg12 : memref<128x64xf32, #tpu.memory_space<vmem>>) offsets(%dma_start3A_186 : memref<128xi32, #tpu.memory_space<vmem>>) semaphore(%arg16 : memref<!tpu.dma_semaphore, #tpu.memory_space<semaphore_mem>>)
        } else {
        }
        %eq3A = arith.constant 0 : i32
        %eq3A_100 = arith.cmpi eq, %scan3A_80, %eq3A : i32
        %convert_element_type3A_101 = arith.extui %eq3A_100 : i1 to i32
        %cond3A_102 = arith.constant 0 : i32
        %cond3A_103 = arith.cmpi ne, %convert_element_type3A_101, %cond3A_102 : i32
        scf.if %cond3A_103 {
          %dma_start3A_177 = arith.constant 0 : i32
          %dma_start3A_178 = tpu.memref_slice %arg8[%add3A_97, %dma_start3A_177] : memref<32x128xi32, #tpu.memory_space<vmem>> -> memref<1x128xi32, #tpu.memory_space<vmem>>
          %dma_start3A_179 = tpu.memref_squeeze %dma_start3A_178 : memref<1x128xi32, #tpu.memory_space<vmem>> -> memref<128xi32, #tpu.memory_space<vmem>>
          %dma_start3A_180 = arith.constant 0 : i32
          %dma_start3A_181 = arith.constant 0 : i32
          %dma_start3A_182 = tpu.memref_slice %arg6[%dma_start3A_180, %dma_start3A_181] : memref<10240x64xf32, #tpu.memory_space<vmem_shared>> -> memref<10240x64xf32, #tpu.memory_space<vmem_shared>>
          tpu.enqueue_indirect_dma source(%dma_start3A_182 : memref<10240x64xf32, #tpu.memory_space<vmem_shared>>) target(%arg12 : memref<128x64xf32, #tpu.memory_space<vmem>>) offsets(%dma_start3A_179 : memref<128xi32, #tpu.memory_space<vmem>>) semaphore(%arg16 : memref<!tpu.dma_semaphore, #tpu.memory_space<semaphore_mem>>)
        } else {
        }
        %mul3A_104 = arith.constant 4 : i32
        %mul3A_105 = arith.muli %scan3A_80, %mul3A_104 : i32
        %add3A_106 = arith.constant 1 : i32
        %add3A_107 = arith.addi %mul3A_105, %add3A_106 : i32
        %dma_wait3A_108 = arith.constant 0 : i32
        %dma_wait3A_109 = tpu.memref_slice %arg8[%add3A_107, %dma_wait3A_108] : memref<32x128xi32, #tpu.memory_space<vmem>> -> memref<1x128xi32, #tpu.memory_space<vmem>>
        %dma_wait3A_110 = tpu.memref_squeeze %dma_wait3A_109 : memref<1x128xi32, #tpu.memory_space<vmem>> -> memref<128xi32, #tpu.memory_space<vmem>>
        %dma_wait3A_111 = arith.constant 0 : i32
        %dma_wait3A_112 = arith.constant 0 : i32
        %dma_wait3A_113 = tpu.memref_slice %arg6[%dma_wait3A_111, %dma_wait3A_112] : memref<10240x64xf32, #tpu.memory_space<vmem_shared>> -> memref<10240x64xf32, #tpu.memory_space<vmem_shared>>
        tpu.wait_indirect_dma semaphore(%arg15 : memref<!tpu.dma_semaphore, #tpu.memory_space<semaphore_mem>>) src(%dma_wait3A_113 : memref<10240x64xf32, #tpu.memory_space<vmem_shared>>) dst(%arg11 : memref<128x64xf32, #tpu.memory_space<vmem>>)
        %dma_start3A_114 = arith.constant 0 : i32
        %dma_start3A_115 = tpu.memref_slice %arg9[%add3A_107, %dma_start3A_114] : memref<32x128xi32, #tpu.memory_space<vmem>> -> memref<1x128xi32, #tpu.memory_space<vmem>>
        %dma_start3A_116 = tpu.memref_squeeze %dma_start3A_115 : memref<1x128xi32, #tpu.memory_space<vmem>> -> memref<128xi32, #tpu.memory_space<vmem>>
        %dma_start3A_117 = arith.constant 0 : i32
        %dma_start3A_118 = arith.constant 0 : i32
        %dma_start3A_119 = tpu.memref_slice %arg7[%dma_start3A_117, %dma_start3A_118] : memref<10240x64xf32, #tpu.memory_space<vmem_shared>> -> memref<10240x64xf32, #tpu.memory_space<vmem_shared>>
        tpu.enqueue_indirect_dma source(%arg11 : memref<128x64xf32, #tpu.memory_space<vmem>>) target(%dma_start3A_119 : memref<10240x64xf32, #tpu.memory_space<vmem_shared>>) offsets(%dma_start3A_116 : memref<128xi32, #tpu.memory_space<vmem>>) semaphore(%arg19 : memref<!tpu.dma_semaphore, #tpu.memory_space<semaphore_mem>>) {add = true}
        %add3A_120 = arith.constant 2 : i32
        %add3A_121 = arith.addi %add3A_107, %add3A_120 : i32
        %gt3A_122 = arith.constant 0 : i32
        %gt3A_123 = arith.cmpi sgt, %scan3A_80, %gt3A_122 : i32
        %convert_element_type3A_124 = arith.extui %gt3A_123 : i1 to i32
        %cond3A_125 = arith.constant 0 : i32
        %cond3A_126 = arith.cmpi ne, %convert_element_type3A_124, %cond3A_125 : i32
        scf.if %cond3A_126 {
          %sub3A = arith.constant 1 : i32
          %sub3A_177 = arith.subi %add3A_107, %sub3A : i32
          %dma_wait3A_178 = arith.constant 0 : i32
          %dma_wait3A_179 = tpu.memref_slice %arg9[%sub3A_177, %dma_wait3A_178] : memref<32x128xi32, #tpu.memory_space<vmem>> -> memref<1x128xi32, #tpu.memory_space<vmem>>
          %dma_wait3A_180 = tpu.memref_squeeze %dma_wait3A_179 : memref<1x128xi32, #tpu.memory_space<vmem>> -> memref<128xi32, #tpu.memory_space<vmem>>
          %dma_wait3A_181 = arith.constant 0 : i32
          %dma_wait3A_182 = arith.constant 0 : i32
          %dma_wait3A_183 = tpu.memref_slice %arg7[%dma_wait3A_181, %dma_wait3A_182] : memref<10240x64xf32, #tpu.memory_space<vmem_shared>> -> memref<10240x64xf32, #tpu.memory_space<vmem_shared>>
          tpu.wait_indirect_dma semaphore(%arg21 : memref<!tpu.dma_semaphore, #tpu.memory_space<semaphore_mem>>) src(%arg13 : memref<128x64xf32, #tpu.memory_space<vmem>>) dst(%dma_wait3A_183 : memref<10240x64xf32, #tpu.memory_space<vmem_shared>>)
          %dma_start3A_184 = arith.constant 0 : i32
          %dma_start3A_185 = tpu.memref_slice %arg8[%add3A_121, %dma_start3A_184] : memref<32x128xi32, #tpu.memory_space<vmem>> -> memref<1x128xi32, #tpu.memory_space<vmem>>
          %dma_start3A_186 = tpu.memref_squeeze %dma_start3A_185 : memref<1x128xi32, #tpu.memory_space<vmem>> -> memref<128xi32, #tpu.memory_space<vmem>>
          %dma_start3A_187 = arith.constant 0 : i32
          %dma_start3A_188 = arith.constant 0 : i32
          %dma_start3A_189 = tpu.memref_slice %arg6[%dma_start3A_187, %dma_start3A_188] : memref<10240x64xf32, #tpu.memory_space<vmem_shared>> -> memref<10240x64xf32, #tpu.memory_space<vmem_shared>>
          tpu.enqueue_indirect_dma source(%dma_start3A_189 : memref<10240x64xf32, #tpu.memory_space<vmem_shared>>) target(%arg13 : memref<128x64xf32, #tpu.memory_space<vmem>>) offsets(%dma_start3A_186 : memref<128xi32, #tpu.memory_space<vmem>>) semaphore(%arg17 : memref<!tpu.dma_semaphore, #tpu.memory_space<semaphore_mem>>)
        } else {
        }
        %eq3A_127 = arith.constant 0 : i32
        %eq3A_128 = arith.cmpi eq, %scan3A_80, %eq3A_127 : i32
        %convert_element_type3A_129 = arith.extui %eq3A_128 : i1 to i32
        %cond3A_130 = arith.constant 0 : i32
        %cond3A_131 = arith.cmpi ne, %convert_element_type3A_129, %cond3A_130 : i32
        scf.if %cond3A_131 {
          %dma_start3A_177 = arith.constant 0 : i32
          %dma_start3A_178 = tpu.memref_slice %arg8[%add3A_121, %dma_start3A_177] : memref<32x128xi32, #tpu.memory_space<vmem>> -> memref<1x128xi32, #tpu.memory_space<vmem>>
          %dma_start3A_179 = tpu.memref_squeeze %dma_start3A_178 : memref<1x128xi32, #tpu.memory_space<vmem>> -> memref<128xi32, #tpu.memory_space<vmem>>
          %dma_start3A_180 = arith.constant 0 : i32
          %dma_start3A_181 = arith.constant 0 : i32
          %dma_start3A_182 = tpu.memref_slice %arg6[%dma_start3A_180, %dma_start3A_181] : memref<10240x64xf32, #tpu.memory_space<vmem_shared>> -> memref<10240x64xf32, #tpu.memory_space<vmem_shared>>
          tpu.enqueue_indirect_dma source(%dma_start3A_182 : memref<10240x64xf32, #tpu.memory_space<vmem_shared>>) target(%arg13 : memref<128x64xf32, #tpu.memory_space<vmem>>) offsets(%dma_start3A_179 : memref<128xi32, #tpu.memory_space<vmem>>) semaphore(%arg17 : memref<!tpu.dma_semaphore, #tpu.memory_space<semaphore_mem>>)
        } else {
        }
        %mul3A_132 = arith.constant 4 : i32
        %mul3A_133 = arith.muli %scan3A_80, %mul3A_132 : i32
        %add3A_134 = arith.constant 2 : i32
        %add3A_135 = arith.addi %mul3A_133, %add3A_134 : i32
        %dma_wait3A_136 = arith.constant 0 : i32
        %dma_wait3A_137 = tpu.memref_slice %arg8[%add3A_135, %dma_wait3A_136] : memref<32x128xi32, #tpu.memory_space<vmem>> -> memref<1x128xi32, #tpu.memory_space<vmem>>
        %dma_wait3A_138 = tpu.memref_squeeze %dma_wait3A_137 : memref<1x128xi32, #tpu.memory_space<vmem>> -> memref<128xi32, #tpu.memory_space<vmem>>
        %dma_wait3A_139 = arith.constant 0 : i32
        %dma_wait3A_140 = arith.constant 0 : i32
        %dma_wait3A_141 = tpu.memref_slice %arg6[%dma_wait3A_139, %dma_wait3A_140] : memref<10240x64xf32, #tpu.memory_space<vmem_shared>> -> memref<10240x64xf32, #tpu.memory_space<vmem_shared>>
        tpu.wait_indirect_dma semaphore(%arg16 : memref<!tpu.dma_semaphore, #tpu.memory_space<semaphore_mem>>) src(%dma_wait3A_141 : memref<10240x64xf32, #tpu.memory_space<vmem_shared>>) dst(%arg12 : memref<128x64xf32, #tpu.memory_space<vmem>>)
        %dma_start3A_142 = arith.constant 0 : i32
        %dma_start3A_143 = tpu.memref_slice %arg9[%add3A_135, %dma_start3A_142] : memref<32x128xi32, #tpu.memory_space<vmem>> -> memref<1x128xi32, #tpu.memory_space<vmem>>
        %dma_start3A_144 = tpu.memref_squeeze %dma_start3A_143 : memref<1x128xi32, #tpu.memory_space<vmem>> -> memref<128xi32, #tpu.memory_space<vmem>>
        %dma_start3A_145 = arith.constant 0 : i32
        %dma_start3A_146 = arith.constant 0 : i32
        %dma_start3A_147 = tpu.memref_slice %arg7[%dma_start3A_145, %dma_start3A_146] : memref<10240x64xf32, #tpu.memory_space<vmem_shared>> -> memref<10240x64xf32, #tpu.memory_space<vmem_shared>>
        tpu.enqueue_indirect_dma source(%arg12 : memref<128x64xf32, #tpu.memory_space<vmem>>) target(%dma_start3A_147 : memref<10240x64xf32, #tpu.memory_space<vmem_shared>>) offsets(%dma_start3A_144 : memref<128xi32, #tpu.memory_space<vmem>>) semaphore(%arg20 : memref<!tpu.dma_semaphore, #tpu.memory_space<semaphore_mem>>) {add = true}
        %add3A_148 = arith.constant 2 : i32
        %add3A_149 = arith.addi %add3A_135, %add3A_148 : i32
        %lt3A = arith.constant 32 : i32
        %lt3A_150 = arith.cmpi slt, %add3A_149, %lt3A : i32
        %convert_element_type3A_151 = arith.extui %lt3A_150 : i1 to i32
        %cond3A_152 = arith.constant 0 : i32
        %cond3A_153 = arith.cmpi ne, %convert_element_type3A_151, %cond3A_152 : i32
        scf.if %cond3A_153 {
          %sub3A = arith.constant 1 : i32
          %sub3A_177 = arith.subi %add3A_135, %sub3A : i32
          %dma_wait3A_178 = arith.constant 0 : i32
          %dma_wait3A_179 = tpu.memref_slice %arg9[%sub3A_177, %dma_wait3A_178] : memref<32x128xi32, #tpu.memory_space<vmem>> -> memref<1x128xi32, #tpu.memory_space<vmem>>
          %dma_wait3A_180 = tpu.memref_squeeze %dma_wait3A_179 : memref<1x128xi32, #tpu.memory_space<vmem>> -> memref<128xi32, #tpu.memory_space<vmem>>
          %dma_wait3A_181 = arith.constant 0 : i32
          %dma_wait3A_182 = arith.constant 0 : i32
          %dma_wait3A_183 = tpu.memref_slice %arg7[%dma_wait3A_181, %dma_wait3A_182] : memref<10240x64xf32, #tpu.memory_space<vmem_shared>> -> memref<10240x64xf32, #tpu.memory_space<vmem_shared>>
          tpu.wait_indirect_dma semaphore(%arg18 : memref<!tpu.dma_semaphore, #tpu.memory_space<semaphore_mem>>) src(%arg10 : memref<128x64xf32, #tpu.memory_space<vmem>>) dst(%dma_wait3A_183 : memref<10240x64xf32, #tpu.memory_space<vmem_shared>>)
          %dma_start3A_184 = arith.constant 0 : i32
          %dma_start3A_185 = tpu.memref_slice %arg8[%add3A_149, %dma_start3A_184] : memref<32x128xi32, #tpu.memory_space<vmem>> -> memref<1x128xi32, #tpu.memory_space<vmem>>
          %dma_start3A_186 = tpu.memref_squeeze %dma_start3A_185 : memref<1x128xi32, #tpu.memory_space<vmem>> -> memref<128xi32, #tpu.memory_space<vmem>>
          %dma_start3A_187 = arith.constant 0 : i32
          %dma_start3A_188 = arith.constant 0 : i32
          %dma_start3A_189 = tpu.memref_slice %arg6[%dma_start3A_187, %dma_start3A_188] : memref<10240x64xf32, #tpu.memory_space<vmem_shared>> -> memref<10240x64xf32, #tpu.memory_space<vmem_shared>>
          tpu.enqueue_indirect_dma source(%dma_start3A_189 : memref<10240x64xf32, #tpu.memory_space<vmem_shared>>) target(%arg10 : memref<128x64xf32, #tpu.memory_space<vmem>>) offsets(%dma_start3A_186 : memref<128xi32, #tpu.memory_space<vmem>>) semaphore(%arg14 : memref<!tpu.dma_semaphore, #tpu.memory_space<semaphore_mem>>)
        } else {
        }
        %mul3A_154 = arith.constant 4 : i32
        %mul3A_155 = arith.muli %scan3A_80, %mul3A_154 : i32
        %add3A_156 = arith.constant 3 : i32
        %add3A_157 = arith.addi %mul3A_155, %add3A_156 : i32
        %dma_wait3A_158 = arith.constant 0 : i32
        %dma_wait3A_159 = tpu.memref_slice %arg8[%add3A_157, %dma_wait3A_158] : memref<32x128xi32, #tpu.memory_space<vmem>> -> memref<1x128xi32, #tpu.memory_space<vmem>>
        %dma_wait3A_160 = tpu.memref_squeeze %dma_wait3A_159 : memref<1x128xi32, #tpu.memory_space<vmem>> -> memref<128xi32, #tpu.memory_space<vmem>>
        %dma_wait3A_161 = arith.constant 0 : i32
        %dma_wait3A_162 = arith.constant 0 : i32
        %dma_wait3A_163 = tpu.memref_slice %arg6[%dma_wait3A_161, %dma_wait3A_162] : memref<10240x64xf32, #tpu.memory_space<vmem_shared>> -> memref<10240x64xf32, #tpu.memory_space<vmem_shared>>
        tpu.wait_indirect_dma semaphore(%arg17 : memref<!tpu.dma_semaphore, #tpu.memory_space<semaphore_mem>>) src(%dma_wait3A_163 : memref<10240x64xf32, #tpu.memory_space<vmem_shared>>) dst(%arg13 : memref<128x64xf32, #tpu.memory_space<vmem>>)
        %dma_start3A_164 = arith.constant 0 : i32
        %dma_start3A_165 = tpu.memref_slice %arg9[%add3A_157, %dma_start3A_164] : memref<32x128xi32, #tpu.memory_space<vmem>> -> memref<1x128xi32, #tpu.memory_space<vmem>>
        %dma_start3A_166 = tpu.memref_squeeze %dma_start3A_165 : memref<1x128xi32, #tpu.memory_space<vmem>> -> memref<128xi32, #tpu.memory_space<vmem>>
        %dma_start3A_167 = arith.constant 0 : i32
        %dma_start3A_168 = arith.constant 0 : i32
        %dma_start3A_169 = tpu.memref_slice %arg7[%dma_start3A_167, %dma_start3A_168] : memref<10240x64xf32, #tpu.memory_space<vmem_shared>> -> memref<10240x64xf32, #tpu.memory_space<vmem_shared>>
        tpu.enqueue_indirect_dma source(%arg13 : memref<128x64xf32, #tpu.memory_space<vmem>>) target(%dma_start3A_169 : memref<10240x64xf32, #tpu.memory_space<vmem_shared>>) offsets(%dma_start3A_166 : memref<128xi32, #tpu.memory_space<vmem>>) semaphore(%arg21 : memref<!tpu.dma_semaphore, #tpu.memory_space<semaphore_mem>>) {add = true}
        %add3A_170 = arith.constant 2 : i32
        %add3A_171 = arith.addi %add3A_157, %add3A_170 : i32
        %lt3A_172 = arith.constant 32 : i32
        %lt3A_173 = arith.cmpi slt, %add3A_171, %lt3A_172 : i32
        %convert_element_type3A_174 = arith.extui %lt3A_173 : i1 to i32
        %cond3A_175 = arith.constant 0 : i32
        %cond3A_176 = arith.cmpi ne, %convert_element_type3A_174, %cond3A_175 : i32
        scf.if %cond3A_176 {
          %sub3A = arith.constant 1 : i32
          %sub3A_177 = arith.subi %add3A_157, %sub3A : i32
          %dma_wait3A_178 = arith.constant 0 : i32
          %dma_wait3A_179 = tpu.memref_slice %arg9[%sub3A_177, %dma_wait3A_178] : memref<32x128xi32, #tpu.memory_space<vmem>> -> memref<1x128xi32, #tpu.memory_space<vmem>>
          %dma_wait3A_180 = tpu.memref_squeeze %dma_wait3A_179 : memref<1x128xi32, #tpu.memory_space<vmem>> -> memref<128xi32, #tpu.memory_space<vmem>>
          %dma_wait3A_181 = arith.constant 0 : i32
          %dma_wait3A_182 = arith.constant 0 : i32
          %dma_wait3A_183 = tpu.memref_slice %arg7[%dma_wait3A_181, %dma_wait3A_182] : memref<10240x64xf32, #tpu.memory_space<vmem_shared>> -> memref<10240x64xf32, #tpu.memory_space<vmem_shared>>
          tpu.wait_indirect_dma semaphore(%arg19 : memref<!tpu.dma_semaphore, #tpu.memory_space<semaphore_mem>>) src(%arg11 : memref<128x64xf32, #tpu.memory_space<vmem>>) dst(%dma_wait3A_183 : memref<10240x64xf32, #tpu.memory_space<vmem_shared>>)
          %dma_start3A_184 = arith.constant 0 : i32
          %dma_start3A_185 = tpu.memref_slice %arg8[%add3A_171, %dma_start3A_184] : memref<32x128xi32, #tpu.memory_space<vmem>> -> memref<1x128xi32, #tpu.memory_space<vmem>>
          %dma_start3A_186 = tpu.memref_squeeze %dma_start3A_185 : memref<1x128xi32, #tpu.memory_space<vmem>> -> memref<128xi32, #tpu.memory_space<vmem>>
          %dma_start3A_187 = arith.constant 0 : i32
          %dma_start3A_188 = arith.constant 0 : i32
          %dma_start3A_189 = tpu.memref_slice %arg6[%dma_start3A_187, %dma_start3A_188] : memref<10240x64xf32, #tpu.memory_space<vmem_shared>> -> memref<10240x64xf32, #tpu.memory_space<vmem_shared>>
          tpu.enqueue_indirect_dma source(%dma_start3A_189 : memref<10240x64xf32, #tpu.memory_space<vmem_shared>>) target(%arg11 : memref<128x64xf32, #tpu.memory_space<vmem>>) offsets(%dma_start3A_186 : memref<128xi32, #tpu.memory_space<vmem>>) semaphore(%arg15 : memref<!tpu.dma_semaphore, #tpu.memory_space<semaphore_mem>>)
        } else {
        }
      }
      %scan3A_51 = arith.constant 8 : i32
      %dma_wait3A = arith.constant 28 : i32
      %dma_wait3A_52 = arith.constant 0 : i32
      %dma_wait3A_53 = tpu.memref_slice %arg9[%dma_wait3A, %dma_wait3A_52] : memref<32x128xi32, #tpu.memory_space<vmem>> -> memref<1x128xi32, #tpu.memory_space<vmem>>
      %dma_wait3A_54 = tpu.memref_squeeze %dma_wait3A_53 : memref<1x128xi32, #tpu.memory_space<vmem>> -> memref<128xi32, #tpu.memory_space<vmem>>
      %dma_wait3A_55 = arith.constant 0 : i32
      %dma_wait3A_56 = arith.constant 0 : i32
      %dma_wait3A_57 = tpu.memref_slice %arg7[%dma_wait3A_55, %dma_wait3A_56] : memref<10240x64xf32, #tpu.memory_space<vmem_shared>> -> memref<10240x64xf32, #tpu.memory_space<vmem_shared>>
      tpu.wait_indirect_dma semaphore(%arg18 : memref<!tpu.dma_semaphore, #tpu.memory_space<semaphore_mem>>) src(%arg10 : memref<128x64xf32, #tpu.memory_space<vmem>>) dst(%dma_wait3A_57 : memref<10240x64xf32, #tpu.memory_space<vmem_shared>>)
      %dma_wait3A_58 = arith.constant 29 : i32
      %dma_wait3A_59 = arith.constant 0 : i32
      %dma_wait3A_60 = tpu.memref_slice %arg9[%dma_wait3A_58, %dma_wait3A_59] : memref<32x128xi32, #tpu.memory_space<vmem>> -> memref<1x128xi32, #tpu.memory_space<vmem>>
      %dma_wait3A_61 = tpu.memref_squeeze %dma_wait3A_60 : memref<1x128xi32, #tpu.memory_space<vmem>> -> memref<128xi32, #tpu.memory_space<vmem>>
      %dma_wait3A_62 = arith.constant 0 : i32
      %dma_wait3A_63 = arith.constant 0 : i32
      %dma_wait3A_64 = tpu.memref_slice %arg7[%dma_wait3A_62, %dma_wait3A_63] : memref<10240x64xf32, #tpu.memory_space<vmem_shared>> -> memref<10240x64xf32, #tpu.memory_space<vmem_shared>>
      tpu.wait_indirect_dma semaphore(%arg19 : memref<!tpu.dma_semaphore, #tpu.memory_space<semaphore_mem>>) src(%arg11 : memref<128x64xf32, #tpu.memory_space<vmem>>) dst(%dma_wait3A_64 : memref<10240x64xf32, #tpu.memory_space<vmem_shared>>)
      %dma_wait3A_65 = arith.constant 30 : i32
      %dma_wait3A_66 = arith.constant 0 : i32
      %dma_wait3A_67 = tpu.memref_slice %arg9[%dma_wait3A_65, %dma_wait3A_66] : memref<32x128xi32, #tpu.memory_space<vmem>> -> memref<1x128xi32, #tpu.memory_space<vmem>>
      %dma_wait3A_68 = tpu.memref_squeeze %dma_wait3A_67 : memref<1x128xi32, #tpu.memory_space<vmem>> -> memref<128xi32, #tpu.memory_space<vmem>>
      %dma_wait3A_69 = arith.constant 0 : i32
      %dma_wait3A_70 = arith.constant 0 : i32
      %dma_wait3A_71 = tpu.memref_slice %arg7[%dma_wait3A_69, %dma_wait3A_70] : memref<10240x64xf32, #tpu.memory_space<vmem_shared>> -> memref<10240x64xf32, #tpu.memory_space<vmem_shared>>
      tpu.wait_indirect_dma semaphore(%arg20 : memref<!tpu.dma_semaphore, #tpu.memory_space<semaphore_mem>>) src(%arg12 : memref<128x64xf32, #tpu.memory_space<vmem>>) dst(%dma_wait3A_71 : memref<10240x64xf32, #tpu.memory_space<vmem_shared>>)
      %dma_wait3A_72 = arith.constant 31 : i32
      %dma_wait3A_73 = arith.constant 0 : i32
      %dma_wait3A_74 = tpu.memref_slice %arg9[%dma_wait3A_72, %dma_wait3A_73] : memref<32x128xi32, #tpu.memory_space<vmem>> -> memref<1x128xi32, #tpu.memory_space<vmem>>
      %dma_wait3A_75 = tpu.memref_squeeze %dma_wait3A_74 : memref<1x128xi32, #tpu.memory_space<vmem>> -> memref<128xi32, #tpu.memory_space<vmem>>
      %dma_wait3A_76 = arith.constant 0 : i32
      %dma_wait3A_77 = arith.constant 0 : i32
      %dma_wait3A_78 = tpu.memref_slice %arg7[%dma_wait3A_76, %dma_wait3A_77] : memref<10240x64xf32, #tpu.memory_space<vmem_shared>> -> memref<10240x64xf32, #tpu.memory_space<vmem_shared>>
      tpu.wait_indirect_dma semaphore(%arg21 : memref<!tpu.dma_semaphore, #tpu.memory_space<semaphore_mem>>) src(%arg13 : memref<128x64xf32, #tpu.memory_space<vmem>>) dst(%dma_wait3A_78 : memref<10240x64xf32, #tpu.memory_space<vmem_shared>>)
      %scan3A_79 = arith.constant 0 : i32
      scf.yield %scan3A_79 : i32
    }
    %scan3A_23 = arith.constant 5 : i32
    %barrier3A_24 = arith.constant 0 : index
    tpu.barrier barrier_id(%barrier3A_24)
    %mul3A_25 = arith.constant 640 : i32
    %mul3A_26 = arith.muli %arg1, %mul3A_25 : i32
    %mul3A_27 = arith.constant 640 : i32
    %mul3A_28 = arith.muli %arg1, %mul3A_27 : i32
    "tpu.region"() ({
      %run_scoped3A = tpu.sem_alloc : memref<!tpu.dma_semaphore, #tpu.memory_space<semaphore_mem>>
      %dma_start3A = arith.constant 0 : i32
      %dma_start3A_29 = tpu.memref_slice %arg5[%arg0, %mul3A_28, %dma_start3A] : memref<2x10240x64xf32, #tpu.memory_space<hbm>> -> memref<1x640x64xf32, #tpu.memory_space<hbm>>
      %dma_start3A_30 = tpu.memref_squeeze %dma_start3A_29 : memref<1x640x64xf32, #tpu.memory_space<hbm>> -> memref<640x64xf32, #tpu.memory_space<hbm>>
      %dma_start3A_31 = arith.constant 0 : i32
      %dma_start3A_32 = tpu.memref_slice %arg7[%mul3A_26, %dma_start3A_31] : memref<10240x64xf32, #tpu.memory_space<vmem_shared>> -> memref<640x64xf32, #tpu.memory_space<vmem_shared>>
      tpu.enqueue_dma source(%dma_start3A_32 : memref<640x64xf32, #tpu.memory_space<vmem_shared>>) target(%dma_start3A_30 : memref<640x64xf32, #tpu.memory_space<hbm>>) target_semaphore(%run_scoped3A : memref<!tpu.dma_semaphore, #tpu.memory_space<semaphore_mem>>)
      %dma_wait3A = arith.constant 0 : i32
      %dma_wait3A_33 = tpu.memref_slice %arg5[%arg0, %mul3A_28, %dma_wait3A] : memref<2x10240x64xf32, #tpu.memory_space<hbm>> -> memref<1x640x64xf32, #tpu.memory_space<hbm>>
      %dma_wait3A_34 = tpu.memref_squeeze %dma_wait3A_33 : memref<1x640x64xf32, #tpu.memory_space<hbm>> -> memref<640x64xf32, #tpu.memory_space<hbm>>
      %dma_wait3A_35 = arith.constant 0 : i32
      %dma_wait3A_36 = tpu.memref_slice %arg7[%mul3A_26, %dma_wait3A_35] : memref<10240x64xf32, #tpu.memory_space<vmem_shared>> -> memref<640x64xf32, #tpu.memory_space<vmem_shared>>
      tpu.wait_dma2 semaphore(%run_scoped3A : memref<!tpu.dma_semaphore, #tpu.memory_space<semaphore_mem>>) src(%dma_wait3A_36 : memref<640x64xf32, #tpu.memory_space<vmem_shared>>) dst(%dma_wait3A_34 : memref<640x64xf32, #tpu.memory_space<hbm>>)
      tpu.yield
    }) : () -> ()
    return
  }
}

#map = affine_map<(d0, d1) -> (0, 0, 0)>
#map1 = affine_map<(d0, d1) -> (0, 0)>
module attributes {stable_mosaic.version = 14 : i64} {
  func.func @_seg_body(%arg0: i32, %arg1: i32, %arg2: memref<2x10240x64xf32, #tpu.memory_space<hbm>>, %arg3: memref<16x160x128xi32, #tpu.memory_space<hbm>>, %arg4: memref<16x160x128xi32, #tpu.memory_space<hbm>>, %arg5: memref<2x10240x64xf32, #tpu.memory_space<hbm>>, %arg6: memref<2x10240xf32, #tpu.memory_space<hbm>>, %arg7: memref<10240x64xf32, #tpu.memory_space<vmem_shared>>, %arg8: memref<10240x64xf32, #tpu.memory_space<vmem_shared>>, %arg9: memref<10240xf32, #tpu.memory_space<vmem_shared>>, %arg10: memref<32x128xi32, #tpu.memory_space<vmem>>, %arg11: memref<32x128xi32, #tpu.memory_space<vmem>>, %arg12: memref<128x64xf32, #tpu.memory_space<vmem>>, %arg13: memref<128x64xf32, #tpu.memory_space<vmem>>, %arg14: memref<128x64xf32, #tpu.memory_space<vmem>>, %arg15: memref<128x64xf32, #tpu.memory_space<vmem>>, %arg16: memref<!tpu.dma_semaphore, #tpu.memory_space<semaphore_mem>>, %arg17: memref<!tpu.dma_semaphore, #tpu.memory_space<semaphore_mem>>, %arg18: memref<!tpu.dma_semaphore, #tpu.memory_space<semaphore_mem>>, %arg19: memref<!tpu.dma_semaphore, #tpu.memory_space<semaphore_mem>>, %arg20: memref<!tpu.dma_semaphore, #tpu.memory_space<semaphore_mem>>, %arg21: memref<!tpu.dma_semaphore, #tpu.memory_space<semaphore_mem>>, %arg22: memref<!tpu.dma_semaphore, #tpu.memory_space<semaphore_mem>>, %arg23: memref<!tpu.dma_semaphore, #tpu.memory_space<semaphore_mem>>, %arg24: memref<128xf32, #tpu.memory_space<vmem>>, %arg25: memref<640xf32, #tpu.memory_space<vmem>>) attributes {dimension_semantics = [#tpu.dimension_semantics<core_parallel>, #tpu.dimension_semantics<subcore_parallel>], iteration_bounds = array<i64: 2, 16>, scalar_prefetch = 0 : i64, scratch_operands = 19 : i64, tpu.core_type = #tpu.core_type<sc_vector_subcore>, window_params = [{transform_indices = #map}, {transform_indices = #map}, {transform_indices = #map}, {transform_indices = #map}, {transform_indices = #map1}]} {
    %broadcast_in_dim3A = arith.constant 0.000000e+00 : f32
    %broadcast_in_dim3A_0 = vector.broadcast %broadcast_in_dim3A : f32 to vector<16xf32>
    %scan3A = arith.constant 0 : i32
    %scan3A_1 = arith.constant 0 : i32
    %scan3A_2 = arith.constant 512 : i32
    %scan3A_3 = arith.addi %scan3A_1, %scan3A_2 : i32
    %scan3A_4 = arith.constant 1 : i32
    %scan3A_5 = scf.for %scan3A_51 = %scan3A_1 to %scan3A_3 step %scan3A_4 iter_args(%scan3A_52 = %scan3A) -> (i32)  : i32 {
      %jit3A = arith.constant 4 : i32
      %div3A = arith.divsi %scan3A_51, %jit3A : i32
      %sign3A = arith.constant 0 : i32
      %sign3A_53 = arith.cmpi sgt, %scan3A_51, %sign3A : i32
      %sign3A_54 = arith.extui %sign3A_53 : i1 to i32
      %sign3A_55 = arith.constant 0 : i32
      %sign3A_56 = arith.cmpi slt, %scan3A_51, %sign3A_55 : i32
      %sign3A_57 = arith.extui %sign3A_56 : i1 to i32
      %sign3A_58 = arith.subi %sign3A_54, %sign3A_57 : i32
      %sign3A_59 = arith.constant 0 : i32
      %sign3A_60 = arith.cmpi sgt, %jit3A, %sign3A_59 : i32
      %sign3A_61 = arith.extui %sign3A_60 : i1 to i32
      %sign3A_62 = arith.constant 0 : i32
      %sign3A_63 = arith.cmpi slt, %jit3A, %sign3A_62 : i32
      %sign3A_64 = arith.extui %sign3A_63 : i1 to i32
      %sign3A_65 = arith.subi %sign3A_61, %sign3A_64 : i32
      %ne3A = arith.cmpi ne, %sign3A_58, %sign3A_65 : i32
      %rem3A = arith.remsi %scan3A_51, %jit3A : i32
      %ne3A_66 = arith.constant 0 : i32
      %ne3A_67 = arith.cmpi ne, %rem3A, %ne3A_66 : i32
      %and3A = arith.andi %ne3A, %ne3A_67 : i1
      %sub3A = arith.constant 1 : i32
      %sub3A_68 = arith.subi %div3A, %sub3A : i32
      %select_n3A = arith.select %and3A, %sub3A_68, %div3A : i32
      %jit3A_69 = arith.constant 4 : i32
      %eq3A = arith.constant 0 : i32
      %eq3A_70 = arith.cmpi eq, %jit3A_69, %eq3A : i32
      %jit3A_71 = arith.constant 1 : i32
      %select_n3A_72 = arith.select %eq3A_70, %jit3A_71, %jit3A_69 : i32
      %rem3A_73 = arith.remsi %scan3A_51, %select_n3A_72 : i32
      %ne3A_74 = arith.constant 0 : i32
      %ne3A_75 = arith.cmpi ne, %rem3A_73, %ne3A_74 : i32
      %lt3A = arith.constant 0 : i32
      %lt3A_76 = arith.cmpi slt, %rem3A_73, %lt3A : i32
      %lt3A_77 = arith.constant 0 : i32
      %lt3A_78 = arith.cmpi slt, %select_n3A_72, %lt3A_77 : i32
      %ne3A_79 = arith.xori %lt3A_76, %lt3A_78 : i1
      %and3A_80 = arith.andi %ne3A_79, %ne3A_75 : i1
      %add3A = arith.addi %rem3A_73, %select_n3A_72 : i32
      %select_n3A_81 = arith.select %and3A_80, %add3A, %rem3A_73 : i32
      %mul3A_82 = arith.constant 16 : i32
      %mul3A_83 = arith.muli %select_n3A_81, %mul3A_82 : i32
      %swap3A = arith.index_cast %select_n3A : i32 to index
      %swap3A_84 = arith.index_cast %mul3A_83 : i32 to index
      %swap3A_85 = tpu.vector_load %arg12[%swap3A, %swap3A_84] {strides = array<i32>} : memref<128x64xf32, #tpu.memory_space<vmem>>, vector<1x16xf32>,
      %swap3A_86 = vector.shape_cast %swap3A_85 : vector<1x16xf32> to vector<16xf32>
      %swap3A_87 = vector.shape_cast %broadcast_in_dim3A_0 : vector<16xf32> to vector<1x16xf32>
      tpu.vector_store %arg12[%swap3A, %swap3A_84], %swap3A_87 {strides = array<i32>} : memref<128x64xf32, #tpu.memory_space<vmem>>, vector<1x16xf32>,
      %scan3A_88 = arith.constant 0 : i32
      scf.yield %scan3A_88 : i32
    }
    %scan3A_6 = arith.constant 512 : i32
    %broadcast_in_dim3A_7 = arith.constant 1.000000e+00 : f32
    %broadcast_in_dim3A_8 = vector.broadcast %broadcast_in_dim3A_7 : f32 to vector<16xf32>
    %scan3A_9 = arith.constant 0 : i32
    %scan3A_10 = arith.constant 0 : i32
    %scan3A_11 = arith.constant 8 : i32
    %scan3A_12 = arith.addi %scan3A_10, %scan3A_11 : i32
    %scan3A_13 = arith.constant 1 : i32
    %scan3A_14 = scf.for %scan3A_51 = %scan3A_10 to %scan3A_12 step %scan3A_13 iter_args(%scan3A_52 = %scan3A_9) -> (i32)  : i32 {
      %mul3A_53 = arith.constant 16 : i32
      %mul3A_54 = arith.muli %scan3A_51, %mul3A_53 : i32
      %swap3A = arith.index_cast %mul3A_54 : i32 to index
      %swap3A_55 = tpu.vector_load %arg24[%swap3A] {strides = array<i32>} : memref<128xf32, #tpu.memory_space<vmem>>, vector<16xf32>,
      %swap3A_56 = vector.shape_cast %swap3A_55 : vector<16xf32> to vector<16xf32>
      %swap3A_57 = vector.shape_cast %broadcast_in_dim3A_8 : vector<16xf32> to vector<16xf32>
      tpu.vector_store %arg24[%swap3A], %swap3A_57 {strides = array<i32>} : memref<128xf32, #tpu.memory_space<vmem>>, vector<16xf32>,
      %scan3A_58 = arith.constant 0 : i32
      scf.yield %scan3A_58 : i32
    }
    %scan3A_15 = arith.constant 8 : i32
    %scan3A_16 = arith.constant 0 : i32
    %scan3A_17 = arith.constant 0 : i32
    %scan3A_18 = arith.constant 40 : i32
    %scan3A_19 = arith.addi %scan3A_17, %scan3A_18 : i32
    %scan3A_20 = arith.constant 1 : i32
    %scan3A_21 = scf.for %scan3A_51 = %scan3A_17 to %scan3A_19 step %scan3A_20 iter_args(%scan3A_52 = %scan3A_16) -> (i32)  : i32 {
      %mul3A_53 = arith.constant 16 : i32
      %mul3A_54 = arith.muli %scan3A_51, %mul3A_53 : i32
      %swap3A = arith.index_cast %mul3A_54 : i32 to index
      %swap3A_55 = tpu.vector_load %arg25[%swap3A] {strides = array<i32>} : memref<640xf32, #tpu.memory_space<vmem>>, vector<16xf32>,
      %swap3A_56 = vector.shape_cast %swap3A_55 : vector<16xf32> to vector<16xf32>
      %swap3A_57 = vector.shape_cast %broadcast_in_dim3A_0 : vector<16xf32> to vector<16xf32>
      tpu.vector_store %arg25[%swap3A], %swap3A_57 {strides = array<i32>} : memref<640xf32, #tpu.memory_space<vmem>>, vector<16xf32>,
      %scan3A_58 = arith.constant 0 : i32
      scf.yield %scan3A_58 : i32
    }
    %scan3A_22 = arith.constant 40 : i32
    %mul3A = arith.constant 640 : i32
    %mul3A_23 = arith.muli %arg1, %mul3A : i32
    %mul3A_24 = arith.constant 640 : i32
    %mul3A_25 = arith.muli %arg1, %mul3A_24 : i32
    "tpu.region"() ({
      %run_scoped3A = tpu.sem_alloc : memref<!tpu.dma_semaphore, #tpu.memory_space<semaphore_mem>>
      %dma_start3A = arith.constant 0 : i32
      %dma_start3A_51 = tpu.memref_slice %arg7[%mul3A_25, %dma_start3A] : memref<10240x64xf32, #tpu.memory_space<vmem_shared>> -> memref<640x64xf32, #tpu.memory_space<vmem_shared>>
      %dma_start3A_52 = arith.constant 0 : i32
      %dma_start3A_53 = tpu.memref_slice %arg2[%arg0, %mul3A_23, %dma_start3A_52] : memref<2x10240x64xf32, #tpu.memory_space<hbm>> -> memref<1x640x64xf32, #tpu.memory_space<hbm>>
      %dma_start3A_54 = tpu.memref_squeeze %dma_start3A_53 : memref<1x640x64xf32, #tpu.memory_space<hbm>> -> memref<640x64xf32, #tpu.memory_space<hbm>>
      tpu.enqueue_dma source(%dma_start3A_54 : memref<640x64xf32, #tpu.memory_space<hbm>>) target(%dma_start3A_51 : memref<640x64xf32, #tpu.memory_space<vmem_shared>>) target_semaphore(%run_scoped3A : memref<!tpu.dma_semaphore, #tpu.memory_space<semaphore_mem>>)
      %dma_wait3A = arith.constant 0 : i32
      %dma_wait3A_55 = tpu.memref_slice %arg7[%mul3A_25, %dma_wait3A] : memref<10240x64xf32, #tpu.memory_space<vmem_shared>> -> memref<640x64xf32, #tpu.memory_space<vmem_shared>>
      %dma_wait3A_56 = arith.constant 0 : i32
      %dma_wait3A_57 = tpu.memref_slice %arg2[%arg0, %mul3A_23, %dma_wait3A_56] : memref<2x10240x64xf32, #tpu.memory_space<hbm>> -> memref<1x640x64xf32, #tpu.memory_space<hbm>>
      %dma_wait3A_58 = tpu.memref_squeeze %dma_wait3A_57 : memref<1x640x64xf32, #tpu.memory_space<hbm>> -> memref<640x64xf32, #tpu.memory_space<hbm>>
      tpu.wait_dma2 semaphore(%run_scoped3A : memref<!tpu.dma_semaphore, #tpu.memory_space<semaphore_mem>>) src(%dma_wait3A_58 : memref<640x64xf32, #tpu.memory_space<hbm>>) dst(%dma_wait3A_55 : memref<640x64xf32, #tpu.memory_space<vmem_shared>>)
      tpu.yield
    }) : () -> ()
    %scan3A_26 = arith.constant 0 : i32
    %scan3A_27 = arith.constant 0 : i32
    %scan3A_28 = arith.constant 5 : i32
    %scan3A_29 = arith.addi %scan3A_27, %scan3A_28 : i32
    %scan3A_30 = arith.constant 1 : i32
    %scan3A_31 = scf.for %scan3A_51 = %scan3A_27 to %scan3A_29 step %scan3A_30 iter_args(%scan3A_52 = %scan3A_26) -> (i32)  : i32 {
      %mul3A_53 = arith.constant 640 : i32
      %mul3A_54 = arith.muli %arg1, %mul3A_53 : i32
      %mul3A_55 = arith.constant 128 : i32
      %mul3A_56 = arith.muli %scan3A_51, %mul3A_55 : i32
      %add3A = arith.addi %mul3A_54, %mul3A_56 : i32
      "tpu.region"() ({
        %run_scoped3A = tpu.sem_alloc : memref<!tpu.dma_semaphore, #tpu.memory_space<semaphore_mem>>
        %dma_start3A = arith.constant 0 : i32
        %dma_start3A_58 = tpu.memref_slice %arg8[%add3A, %dma_start3A] : memref<10240x64xf32, #tpu.memory_space<vmem_shared>> -> memref<128x64xf32, #tpu.memory_space<vmem_shared>>
        %dma_start3A_59 = arith.constant 0 : i32
        %dma_start3A_60 = tpu.memref_slice %arg8[%add3A, %dma_start3A_59] : memref<10240x64xf32, #tpu.memory_space<vmem_shared>> -> memref<128x64xf32, #tpu.memory_space<vmem_shared>>
        tpu.enqueue_dma source(%arg12 : memref<128x64xf32, #tpu.memory_space<vmem>>) target(%dma_start3A_60 : memref<128x64xf32, #tpu.memory_space<vmem_shared>>) target_semaphore(%run_scoped3A : memref<!tpu.dma_semaphore, #tpu.memory_space<semaphore_mem>>)
        %dma_wait3A = arith.constant 0 : i32
        %dma_wait3A_61 = tpu.memref_slice %arg8[%add3A, %dma_wait3A] : memref<10240x64xf32, #tpu.memory_space<vmem_shared>> -> memref<128x64xf32, #tpu.memory_space<vmem_shared>>
        %dma_wait3A_62 = arith.constant 0 : i32
        %dma_wait3A_63 = tpu.memref_slice %arg8[%add3A, %dma_wait3A_62] : memref<10240x64xf32, #tpu.memory_space<vmem_shared>> -> memref<128x64xf32, #tpu.memory_space<vmem_shared>>
        tpu.wait_dma2 semaphore(%run_scoped3A : memref<!tpu.dma_semaphore, #tpu.memory_space<semaphore_mem>>) src(%arg12 : memref<128x64xf32, #tpu.memory_space<vmem>>) dst(%dma_wait3A_63 : memref<128x64xf32, #tpu.memory_space<vmem_shared>>)
        tpu.yield
      }) : () -> ()
      %scan3A_57 = arith.constant 0 : i32
      scf.yield %scan3A_57 : i32
    }
    %scan3A_32 = arith.constant 5 : i32
    %mul3A_33 = arith.constant 640 : i32
    %mul3A_34 = arith.muli %arg1, %mul3A_33 : i32
    "tpu.region"() ({
      %run_scoped3A = tpu.sem_alloc : memref<!tpu.dma_semaphore, #tpu.memory_space<semaphore_mem>>
      %dma_start3A = tpu.memref_slice %arg9[%mul3A_34] : memref<10240xf32, #tpu.memory_space<vmem_shared>> -> memref<640xf32, #tpu.memory_space<vmem_shared>>
      %dma_start3A_51 = tpu.memref_slice %arg9[%mul3A_34] : memref<10240xf32, #tpu.memory_space<vmem_shared>> -> memref<640xf32, #tpu.memory_space<vmem_shared>>
      tpu.enqueue_dma source(%arg25 : memref<640xf32, #tpu.memory_space<vmem>>) target(%dma_start3A_51 : memref<640xf32, #tpu.memory_space<vmem_shared>>) target_semaphore(%run_scoped3A : memref<!tpu.dma_semaphore, #tpu.memory_space<semaphore_mem>>)
      %dma_wait3A = tpu.memref_slice %arg9[%mul3A_34] : memref<10240xf32, #tpu.memory_space<vmem_shared>> -> memref<640xf32, #tpu.memory_space<vmem_shared>>
      %dma_wait3A_52 = tpu.memref_slice %arg9[%mul3A_34] : memref<10240xf32, #tpu.memory_space<vmem_shared>> -> memref<640xf32, #tpu.memory_space<vmem_shared>>
      tpu.wait_dma2 semaphore(%run_scoped3A : memref<!tpu.dma_semaphore, #tpu.memory_space<semaphore_mem>>) src(%arg25 : memref<640xf32, #tpu.memory_space<vmem>>) dst(%dma_wait3A_52 : memref<640xf32, #tpu.memory_space<vmem_shared>>)
      tpu.yield
    }) : () -> ()
    %barrier3A = arith.constant 0 : index
    tpu.barrier barrier_id(%barrier3A)
    %scan3A_35 = arith.constant 0 : i32
    %scan3A_36 = arith.constant 0 : i32
    %scan3A_37 = arith.constant 5 : i32
    %scan3A_38 = arith.addi %scan3A_36, %scan3A_37 : i32
    %scan3A_39 = arith.constant 1 : i32
    %scan3A_40 = scf.for %scan3A_51 = %scan3A_36 to %scan3A_38 step %scan3A_39 iter_args(%scan3A_52 = %scan3A_35) -> (i32)  : i32 {
      %mul3A_53 = arith.constant 32 : i32
      %mul3A_54 = arith.muli %scan3A_51, %mul3A_53 : i32
      %multiple_of3A = tpu.assume_multiple %mul3A_54, 8 : i32
      "tpu.region"() ({
        %run_scoped3A = tpu.sem_alloc : memref<!tpu.dma_semaphore, #tpu.memory_space<semaphore_mem>>
        %dma_start3A_102 = arith.constant 0 : i32
        %dma_start3A_103 = tpu.memref_slice %arg3[%arg1, %multiple_of3A, %dma_start3A_102] : memref<16x160x128xi32, #tpu.memory_space<hbm>> -> memref<1x32x128xi32, #tpu.memory_space<hbm>>
        %dma_start3A_104 = tpu.memref_squeeze %dma_start3A_103 : memref<1x32x128xi32, #tpu.memory_space<hbm>> -> memref<32x128xi32, #tpu.memory_space<hbm>>
        %dma_start3A_105 = arith.constant 0 : i32
        %dma_start3A_106 = tpu.memref_slice %arg3[%arg1, %multiple_of3A, %dma_start3A_105] : memref<16x160x128xi32, #tpu.memory_space<hbm>> -> memref<1x32x128xi32, #tpu.memory_space<hbm>>
        %dma_start3A_107 = tpu.memref_squeeze %dma_start3A_106 : memref<1x32x128xi32, #tpu.memory_space<hbm>> -> memref<32x128xi32, #tpu.memory_space<hbm>>
        tpu.enqueue_dma source(%dma_start3A_107 : memref<32x128xi32, #tpu.memory_space<hbm>>) target(%arg10 : memref<32x128xi32, #tpu.memory_space<vmem>>) target_semaphore(%run_scoped3A : memref<!tpu.dma_semaphore, #tpu.memory_space<semaphore_mem>>)
        %dma_wait3A_108 = arith.constant 0 : i32
        %dma_wait3A_109 = tpu.memref_slice %arg3[%arg1, %multiple_of3A, %dma_wait3A_108] : memref<16x160x128xi32, #tpu.memory_space<hbm>> -> memref<1x32x128xi32, #tpu.memory_space<hbm>>
        %dma_wait3A_110 = tpu.memref_squeeze %dma_wait3A_109 : memref<1x32x128xi32, #tpu.memory_space<hbm>> -> memref<32x128xi32, #tpu.memory_space<hbm>>
        %dma_wait3A_111 = arith.constant 0 : i32
        %dma_wait3A_112 = tpu.memref_slice %arg3[%arg1, %multiple_of3A, %dma_wait3A_111] : memref<16x160x128xi32, #tpu.memory_space<hbm>> -> memref<1x32x128xi32, #tpu.memory_space<hbm>>
        %dma_wait3A_113 = tpu.memref_squeeze %dma_wait3A_112 : memref<1x32x128xi32, #tpu.memory_space<hbm>> -> memref<32x128xi32, #tpu.memory_space<hbm>>
        tpu.wait_dma2 semaphore(%run_scoped3A : memref<!tpu.dma_semaphore, #tpu.memory_space<semaphore_mem>>) src(%dma_wait3A_113 : memref<32x128xi32, #tpu.memory_space<hbm>>) dst(%arg10 : memref<32x128xi32, #tpu.memory_space<vmem>>)
        tpu.yield
      }) : () -> ()
      "tpu.region"() ({
        %run_scoped3A = tpu.sem_alloc : memref<!tpu.dma_semaphore, #tpu.memory_space<semaphore_mem>>
        %dma_start3A_102 = arith.constant 0 : i32
        %dma_start3A_103 = tpu.memref_slice %arg4[%arg1, %multiple_of3A, %dma_start3A_102] : memref<16x160x128xi32, #tpu.memory_space<hbm>> -> memref<1x32x128xi32, #tpu.memory_space<hbm>>
        %dma_start3A_104 = tpu.memref_squeeze %dma_start3A_103 : memref<1x32x128xi32, #tpu.memory_space<hbm>> -> memref<32x128xi32, #tpu.memory_space<hbm>>
        %dma_start3A_105 = arith.constant 0 : i32
        %dma_start3A_106 = tpu.memref_slice %arg4[%arg1, %multiple_of3A, %dma_start3A_105] : memref<16x160x128xi32, #tpu.memory_space<hbm>> -> memref<1x32x128xi32, #tpu.memory_space<hbm>>
        %dma_start3A_107 = tpu.memref_squeeze %dma_start3A_106 : memref<1x32x128xi32, #tpu.memory_space<hbm>> -> memref<32x128xi32, #tpu.memory_space<hbm>>
        tpu.enqueue_dma source(%dma_start3A_107 : memref<32x128xi32, #tpu.memory_space<hbm>>) target(%arg11 : memref<32x128xi32, #tpu.memory_space<vmem>>) target_semaphore(%run_scoped3A : memref<!tpu.dma_semaphore, #tpu.memory_space<semaphore_mem>>)
        %dma_wait3A_108 = arith.constant 0 : i32
        %dma_wait3A_109 = tpu.memref_slice %arg4[%arg1, %multiple_of3A, %dma_wait3A_108] : memref<16x160x128xi32, #tpu.memory_space<hbm>> -> memref<1x32x128xi32, #tpu.memory_space<hbm>>
        %dma_wait3A_110 = tpu.memref_squeeze %dma_wait3A_109 : memref<1x32x128xi32, #tpu.memory_space<hbm>> -> memref<32x128xi32, #tpu.memory_space<hbm>>
        %dma_wait3A_111 = arith.constant 0 : i32
        %dma_wait3A_112 = tpu.memref_slice %arg4[%arg1, %multiple_of3A, %dma_wait3A_111] : memref<16x160x128xi32, #tpu.memory_space<hbm>> -> memref<1x32x128xi32, #tpu.memory_space<hbm>>
        %dma_wait3A_113 = tpu.memref_squeeze %dma_wait3A_112 : memref<1x32x128xi32, #tpu.memory_space<hbm>> -> memref<32x128xi32, #tpu.memory_space<hbm>>
        tpu.wait_dma2 semaphore(%run_scoped3A : memref<!tpu.dma_semaphore, #tpu.memory_space<semaphore_mem>>) src(%dma_wait3A_113 : memref<32x128xi32, #tpu.memory_space<hbm>>) dst(%arg11 : memref<32x128xi32, #tpu.memory_space<vmem>>)
        tpu.yield
      }) : () -> ()
      %dma_start3A = arith.constant 0 : i32
      %dma_start3A_55 = arith.constant 0 : i32
      %dma_start3A_56 = tpu.memref_slice %arg10[%dma_start3A, %dma_start3A_55] : memref<32x128xi32, #tpu.memory_space<vmem>> -> memref<1x128xi32, #tpu.memory_space<vmem>>
      %dma_start3A_57 = tpu.memref_squeeze %dma_start3A_56 : memref<1x128xi32, #tpu.memory_space<vmem>> -> memref<128xi32, #tpu.memory_space<vmem>>
      %dma_start3A_58 = arith.constant 0 : i32
      %dma_start3A_59 = arith.constant 0 : i32
      %dma_start3A_60 = tpu.memref_slice %arg7[%dma_start3A_58, %dma_start3A_59] : memref<10240x64xf32, #tpu.memory_space<vmem_shared>> -> memref<10240x64xf32, #tpu.memory_space<vmem_shared>>
      tpu.enqueue_indirect_dma source(%dma_start3A_60 : memref<10240x64xf32, #tpu.memory_space<vmem_shared>>) target(%arg12 : memref<128x64xf32, #tpu.memory_space<vmem>>) offsets(%dma_start3A_57 : memref<128xi32, #tpu.memory_space<vmem>>) semaphore(%arg16 : memref<!tpu.dma_semaphore, #tpu.memory_space<semaphore_mem>>)
      %dma_start3A_61 = arith.constant 1 : i32
      %dma_start3A_62 = arith.constant 0 : i32
      %dma_start3A_63 = tpu.memref_slice %arg10[%dma_start3A_61, %dma_start3A_62] : memref<32x128xi32, #tpu.memory_space<vmem>> -> memref<1x128xi32, #tpu.memory_space<vmem>>
      %dma_start3A_64 = tpu.memref_squeeze %dma_start3A_63 : memref<1x128xi32, #tpu.memory_space<vmem>> -> memref<128xi32, #tpu.memory_space<vmem>>
      %dma_start3A_65 = arith.constant 0 : i32
      %dma_start3A_66 = arith.constant 0 : i32
      %dma_start3A_67 = tpu.memref_slice %arg7[%dma_start3A_65, %dma_start3A_66] : memref<10240x64xf32, #tpu.memory_space<vmem_shared>> -> memref<10240x64xf32, #tpu.memory_space<vmem_shared>>
      tpu.enqueue_indirect_dma source(%dma_start3A_67 : memref<10240x64xf32, #tpu.memory_space<vmem_shared>>) target(%arg13 : memref<128x64xf32, #tpu.memory_space<vmem>>) offsets(%dma_start3A_64 : memref<128xi32, #tpu.memory_space<vmem>>) semaphore(%arg17 : memref<!tpu.dma_semaphore, #tpu.memory_space<semaphore_mem>>)
      %scan3A_68 = arith.constant 0 : i32
      %scan3A_69 = arith.constant 0 : i32
      %scan3A_70 = arith.constant 8 : i32
      %scan3A_71 = arith.addi %scan3A_69, %scan3A_70 : i32
      %scan3A_72 = arith.constant 1 : i32
      scf.for %scan3A_102 = %scan3A_69 to %scan3A_71 step %scan3A_72  : i32 {
        %mul3A_103 = arith.constant 4 : i32
        %mul3A_104 = arith.muli %scan3A_102, %mul3A_103 : i32
        %add3A = arith.constant 0 : i32
        %add3A_105 = arith.addi %mul3A_104, %add3A : i32
        %dma_wait3A_106 = arith.constant 0 : i32
        %dma_wait3A_107 = tpu.memref_slice %arg10[%add3A_105, %dma_wait3A_106] : memref<32x128xi32, #tpu.memory_space<vmem>> -> memref<1x128xi32, #tpu.memory_space<vmem>>
        %dma_wait3A_108 = tpu.memref_squeeze %dma_wait3A_107 : memref<1x128xi32, #tpu.memory_space<vmem>> -> memref<128xi32, #tpu.memory_space<vmem>>
        %dma_wait3A_109 = arith.constant 0 : i32
        %dma_wait3A_110 = arith.constant 0 : i32
        %dma_wait3A_111 = tpu.memref_slice %arg7[%dma_wait3A_109, %dma_wait3A_110] : memref<10240x64xf32, #tpu.memory_space<vmem_shared>> -> memref<10240x64xf32, #tpu.memory_space<vmem_shared>>
        tpu.wait_indirect_dma semaphore(%arg16 : memref<!tpu.dma_semaphore, #tpu.memory_space<semaphore_mem>>) src(%dma_wait3A_111 : memref<10240x64xf32, #tpu.memory_space<vmem_shared>>) dst(%arg12 : memref<128x64xf32, #tpu.memory_space<vmem>>)
        %dma_start3A_112 = arith.constant 0 : i32
        %dma_start3A_113 = tpu.memref_slice %arg11[%add3A_105, %dma_start3A_112] : memref<32x128xi32, #tpu.memory_space<vmem>> -> memref<1x128xi32, #tpu.memory_space<vmem>>
        %dma_start3A_114 = tpu.memref_squeeze %dma_start3A_113 : memref<1x128xi32, #tpu.memory_space<vmem>> -> memref<128xi32, #tpu.memory_space<vmem>>
        %dma_start3A_115 = arith.constant 0 : i32
        %dma_start3A_116 = arith.constant 0 : i32
        %dma_start3A_117 = tpu.memref_slice %arg8[%dma_start3A_115, %dma_start3A_116] : memref<10240x64xf32, #tpu.memory_space<vmem_shared>> -> memref<10240x64xf32, #tpu.memory_space<vmem_shared>>
        tpu.enqueue_indirect_dma source(%arg12 : memref<128x64xf32, #tpu.memory_space<vmem>>) target(%dma_start3A_117 : memref<10240x64xf32, #tpu.memory_space<vmem_shared>>) offsets(%dma_start3A_114 : memref<128xi32, #tpu.memory_space<vmem>>) semaphore(%arg20 : memref<!tpu.dma_semaphore, #tpu.memory_space<semaphore_mem>>) {add = true}
        %add3A_118 = arith.addi %add3A_105, %arg0 : i32
        %jit3A = arith.constant 2 : i32
        %eq3A = arith.constant 0 : i32
        %eq3A_119 = arith.cmpi eq, %jit3A, %eq3A : i32
        %jit3A_120 = arith.constant 1 : i32
        %select_n3A = arith.select %eq3A_119, %jit3A_120, %jit3A : i32
        %rem3A = arith.remsi %add3A_118, %select_n3A : i32
        %ne3A = arith.constant 0 : i32
        %ne3A_121 = arith.cmpi ne, %rem3A, %ne3A : i32
        %lt3A = arith.constant 0 : i32
        %lt3A_122 = arith.cmpi slt, %rem3A, %lt3A : i32
        %lt3A_123 = arith.constant 0 : i32
        %lt3A_124 = arith.cmpi slt, %select_n3A, %lt3A_123 : i32
        %ne3A_125 = arith.xori %lt3A_122, %lt3A_124 : i1
        %and3A = arith.andi %ne3A_125, %ne3A_121 : i1
        %add3A_126 = arith.addi %rem3A, %select_n3A : i32
        %select_n3A_127 = arith.select %and3A, %add3A_126, %rem3A : i32
        %eq3A_128 = arith.constant 0 : i32
        %eq3A_129 = arith.cmpi eq, %select_n3A_127, %eq3A_128 : i32
        %convert_element_type3A = arith.extui %eq3A_129 : i1 to i32
        %cond3A = arith.constant 0 : i32
        %cond3A_130 = arith.cmpi ne, %convert_element_type3A, %cond3A : i32
        scf.if %cond3A_130 {
          "tpu.region"() ({
            %run_scoped3A = tpu.sem_alloc : memref<!tpu.dma_semaphore, #tpu.memory_space<semaphore_mem>>
            %dma_start3A_282 = arith.constant 0 : i32
            %dma_start3A_283 = tpu.memref_slice %arg11[%add3A_105, %dma_start3A_282] : memref<32x128xi32, #tpu.memory_space<vmem>> -> memref<1x128xi32, #tpu.memory_space<vmem>>
            %dma_start3A_284 = tpu.memref_squeeze %dma_start3A_283 : memref<1x128xi32, #tpu.memory_space<vmem>> -> memref<128xi32, #tpu.memory_space<vmem>>
            %dma_start3A_285 = arith.constant 0 : i32
            %dma_start3A_286 = tpu.memref_slice %arg9[%dma_start3A_285] : memref<10240xf32, #tpu.memory_space<vmem_shared>> -> memref<10240xf32, #tpu.memory_space<vmem_shared>>
            tpu.enqueue_indirect_dma source(%arg24 : memref<128xf32, #tpu.memory_space<vmem>>) target(%dma_start3A_286 : memref<10240xf32, #tpu.memory_space<vmem_shared>>) offsets(%dma_start3A_284 : memref<128xi32, #tpu.memory_space<vmem>>) semaphore(%run_scoped3A : memref<!tpu.dma_semaphore, #tpu.memory_space<semaphore_mem>>) {add = true}
            %dma_wait3A_287 = arith.constant 0 : i32
            %dma_wait3A_288 = tpu.memref_slice %arg11[%add3A_105, %dma_wait3A_287] : memref<32x128xi32, #tpu.memory_space<vmem>> -> memref<1x128xi32, #tpu.memory_space<vmem>>
            %dma_wait3A_289 = tpu.memref_squeeze %dma_wait3A_288 : memref<1x128xi32, #tpu.memory_space<vmem>> -> memref<128xi32, #tpu.memory_space<vmem>>
            %dma_wait3A_290 = arith.constant 0 : i32
            %dma_wait3A_291 = tpu.memref_slice %arg9[%dma_wait3A_290] : memref<10240xf32, #tpu.memory_space<vmem_shared>> -> memref<10240xf32, #tpu.memory_space<vmem_shared>>
            tpu.wait_indirect_dma semaphore(%run_scoped3A : memref<!tpu.dma_semaphore, #tpu.memory_space<semaphore_mem>>) src(%arg24 : memref<128xf32, #tpu.memory_space<vmem>>) dst(%dma_wait3A_291 : memref<10240xf32, #tpu.memory_space<vmem_shared>>)
            tpu.yield
          }) : () -> ()
        } else {
        }
        %add3A_131 = arith.constant 2 : i32
        %add3A_132 = arith.addi %add3A_105, %add3A_131 : i32
        %gt3A = arith.constant 0 : i32
        %gt3A_133 = arith.cmpi sgt, %scan3A_102, %gt3A : i32
        %convert_element_type3A_134 = arith.extui %gt3A_133 : i1 to i32
        %cond3A_135 = arith.constant 0 : i32
        %cond3A_136 = arith.cmpi ne, %convert_element_type3A_134, %cond3A_135 : i32
        scf.if %cond3A_136 {
          %sub3A = arith.constant 1 : i32
          %sub3A_282 = arith.subi %add3A_105, %sub3A : i32
          %dma_wait3A_283 = arith.constant 0 : i32
          %dma_wait3A_284 = tpu.memref_slice %arg11[%sub3A_282, %dma_wait3A_283] : memref<32x128xi32, #tpu.memory_space<vmem>> -> memref<1x128xi32, #tpu.memory_space<vmem>>
          %dma_wait3A_285 = tpu.memref_squeeze %dma_wait3A_284 : memref<1x128xi32, #tpu.memory_space<vmem>> -> memref<128xi32, #tpu.memory_space<vmem>>
          %dma_wait3A_286 = arith.constant 0 : i32
          %dma_wait3A_287 = arith.constant 0 : i32
          %dma_wait3A_288 = tpu.memref_slice %arg8[%dma_wait3A_286, %dma_wait3A_287] : memref<10240x64xf32, #tpu.memory_space<vmem_shared>> -> memref<10240x64xf32, #tpu.memory_space<vmem_shared>>
          tpu.wait_indirect_dma semaphore(%arg22 : memref<!tpu.dma_semaphore, #tpu.memory_space<semaphore_mem>>) src(%arg14 : memref<128x64xf32, #tpu.memory_space<vmem>>) dst(%dma_wait3A_288 : memref<10240x64xf32, #tpu.memory_space<vmem_shared>>)
          %dma_start3A_289 = arith.constant 0 : i32
          %dma_start3A_290 = tpu.memref_slice %arg10[%add3A_132, %dma_start3A_289] : memref<32x128xi32, #tpu.memory_space<vmem>> -> memref<1x128xi32, #tpu.memory_space<vmem>>
          %dma_start3A_291 = tpu.memref_squeeze %dma_start3A_290 : memref<1x128xi32, #tpu.memory_space<vmem>> -> memref<128xi32, #tpu.memory_space<vmem>>
          %dma_start3A_292 = arith.constant 0 : i32
          %dma_start3A_293 = arith.constant 0 : i32
          %dma_start3A_294 = tpu.memref_slice %arg7[%dma_start3A_292, %dma_start3A_293] : memref<10240x64xf32, #tpu.memory_space<vmem_shared>> -> memref<10240x64xf32, #tpu.memory_space<vmem_shared>>
          tpu.enqueue_indirect_dma source(%dma_start3A_294 : memref<10240x64xf32, #tpu.memory_space<vmem_shared>>) target(%arg14 : memref<128x64xf32, #tpu.memory_space<vmem>>) offsets(%dma_start3A_291 : memref<128xi32, #tpu.memory_space<vmem>>) semaphore(%arg18 : memref<!tpu.dma_semaphore, #tpu.memory_space<semaphore_mem>>)
        } else {
        }
        %eq3A_137 = arith.constant 0 : i32
        %eq3A_138 = arith.cmpi eq, %scan3A_102, %eq3A_137 : i32
        %convert_element_type3A_139 = arith.extui %eq3A_138 : i1 to i32
        %cond3A_140 = arith.constant 0 : i32
        %cond3A_141 = arith.cmpi ne, %convert_element_type3A_139, %cond3A_140 : i32
        scf.if %cond3A_141 {
          %dma_start3A_282 = arith.constant 0 : i32
          %dma_start3A_283 = tpu.memref_slice %arg10[%add3A_132, %dma_start3A_282] : memref<32x128xi32, #tpu.memory_space<vmem>> -> memref<1x128xi32, #tpu.memory_space<vmem>>
          %dma_start3A_284 = tpu.memref_squeeze %dma_start3A_283 : memref<1x128xi32, #tpu.memory_space<vmem>> -> memref<128xi32, #tpu.memory_space<vmem>>
          %dma_start3A_285 = arith.constant 0 : i32
          %dma_start3A_286 = arith.constant 0 : i32
          %dma_start3A_287 = tpu.memref_slice %arg7[%dma_start3A_285, %dma_start3A_286] : memref<10240x64xf32, #tpu.memory_space<vmem_shared>> -> memref<10240x64xf32, #tpu.memory_space<vmem_shared>>
          tpu.enqueue_indirect_dma source(%dma_start3A_287 : memref<10240x64xf32, #tpu.memory_space<vmem_shared>>) target(%arg14 : memref<128x64xf32, #tpu.memory_space<vmem>>) offsets(%dma_start3A_284 : memref<128xi32, #tpu.memory_space<vmem>>) semaphore(%arg18 : memref<!tpu.dma_semaphore, #tpu.memory_space<semaphore_mem>>)
        } else {
        }
        %mul3A_142 = arith.constant 4 : i32
        %mul3A_143 = arith.muli %scan3A_102, %mul3A_142 : i32
        %add3A_144 = arith.constant 1 : i32
        %add3A_145 = arith.addi %mul3A_143, %add3A_144 : i32
        %dma_wait3A_146 = arith.constant 0 : i32
        %dma_wait3A_147 = tpu.memref_slice %arg10[%add3A_145, %dma_wait3A_146] : memref<32x128xi32, #tpu.memory_space<vmem>> -> memref<1x128xi32, #tpu.memory_space<vmem>>
        %dma_wait3A_148 = tpu.memref_squeeze %dma_wait3A_147 : memref<1x128xi32, #tpu.memory_space<vmem>> -> memref<128xi32, #tpu.memory_space<vmem>>
        %dma_wait3A_149 = arith.constant 0 : i32
        %dma_wait3A_150 = arith.constant 0 : i32
        %dma_wait3A_151 = tpu.memref_slice %arg7[%dma_wait3A_149, %dma_wait3A_150] : memref<10240x64xf32, #tpu.memory_space<vmem_shared>> -> memref<10240x64xf32, #tpu.memory_space<vmem_shared>>
        tpu.wait_indirect_dma semaphore(%arg17 : memref<!tpu.dma_semaphore, #tpu.memory_space<semaphore_mem>>) src(%dma_wait3A_151 : memref<10240x64xf32, #tpu.memory_space<vmem_shared>>) dst(%arg13 : memref<128x64xf32, #tpu.memory_space<vmem>>)
        %dma_start3A_152 = arith.constant 0 : i32
        %dma_start3A_153 = tpu.memref_slice %arg11[%add3A_145, %dma_start3A_152] : memref<32x128xi32, #tpu.memory_space<vmem>> -> memref<1x128xi32, #tpu.memory_space<vmem>>
        %dma_start3A_154 = tpu.memref_squeeze %dma_start3A_153 : memref<1x128xi32, #tpu.memory_space<vmem>> -> memref<128xi32, #tpu.memory_space<vmem>>
        %dma_start3A_155 = arith.constant 0 : i32
        %dma_start3A_156 = arith.constant 0 : i32
        %dma_start3A_157 = tpu.memref_slice %arg8[%dma_start3A_155, %dma_start3A_156] : memref<10240x64xf32, #tpu.memory_space<vmem_shared>> -> memref<10240x64xf32, #tpu.memory_space<vmem_shared>>
        tpu.enqueue_indirect_dma source(%arg13 : memref<128x64xf32, #tpu.memory_space<vmem>>) target(%dma_start3A_157 : memref<10240x64xf32, #tpu.memory_space<vmem_shared>>) offsets(%dma_start3A_154 : memref<128xi32, #tpu.memory_space<vmem>>) semaphore(%arg21 : memref<!tpu.dma_semaphore, #tpu.memory_space<semaphore_mem>>) {add = true}
        %add3A_158 = arith.addi %add3A_145, %arg0 : i32
        %jit3A_159 = arith.constant 2 : i32
        %eq3A_160 = arith.constant 0 : i32
        %eq3A_161 = arith.cmpi eq, %jit3A_159, %eq3A_160 : i32
        %jit3A_162 = arith.constant 1 : i32
        %select_n3A_163 = arith.select %eq3A_161, %jit3A_162, %jit3A_159 : i32
        %rem3A_164 = arith.remsi %add3A_158, %select_n3A_163 : i32
        %ne3A_165 = arith.constant 0 : i32
        %ne3A_166 = arith.cmpi ne, %rem3A_164, %ne3A_165 : i32
        %lt3A_167 = arith.constant 0 : i32
        %lt3A_168 = arith.cmpi slt, %rem3A_164, %lt3A_167 : i32
        %lt3A_169 = arith.constant 0 : i32
        %lt3A_170 = arith.cmpi slt, %select_n3A_163, %lt3A_169 : i32
        %ne3A_171 = arith.xori %lt3A_168, %lt3A_170 : i1
        %and3A_172 = arith.andi %ne3A_171, %ne3A_166 : i1
        %add3A_173 = arith.addi %rem3A_164, %select_n3A_163 : i32
        %select_n3A_174 = arith.select %and3A_172, %add3A_173, %rem3A_164 : i32
        %eq3A_175 = arith.constant 0 : i32
        %eq3A_176 = arith.cmpi eq, %select_n3A_174, %eq3A_175 : i32
        %convert_element_type3A_177 = arith.extui %eq3A_176 : i1 to i32
        %cond3A_178 = arith.constant 0 : i32
        %cond3A_179 = arith.cmpi ne, %convert_element_type3A_177, %cond3A_178 : i32
        scf.if %cond3A_179 {
          "tpu.region"() ({
            %run_scoped3A = tpu.sem_alloc : memref<!tpu.dma_semaphore, #tpu.memory_space<semaphore_mem>>
            %dma_start3A_282 = arith.constant 0 : i32
            %dma_start3A_283 = tpu.memref_slice %arg11[%add3A_145, %dma_start3A_282] : memref<32x128xi32, #tpu.memory_space<vmem>> -> memref<1x128xi32, #tpu.memory_space<vmem>>
            %dma_start3A_284 = tpu.memref_squeeze %dma_start3A_283 : memref<1x128xi32, #tpu.memory_space<vmem>> -> memref<128xi32, #tpu.memory_space<vmem>>
            %dma_start3A_285 = arith.constant 0 : i32
            %dma_start3A_286 = tpu.memref_slice %arg9[%dma_start3A_285] : memref<10240xf32, #tpu.memory_space<vmem_shared>> -> memref<10240xf32, #tpu.memory_space<vmem_shared>>
            tpu.enqueue_indirect_dma source(%arg24 : memref<128xf32, #tpu.memory_space<vmem>>) target(%dma_start3A_286 : memref<10240xf32, #tpu.memory_space<vmem_shared>>) offsets(%dma_start3A_284 : memref<128xi32, #tpu.memory_space<vmem>>) semaphore(%run_scoped3A : memref<!tpu.dma_semaphore, #tpu.memory_space<semaphore_mem>>) {add = true}
            %dma_wait3A_287 = arith.constant 0 : i32
            %dma_wait3A_288 = tpu.memref_slice %arg11[%add3A_145, %dma_wait3A_287] : memref<32x128xi32, #tpu.memory_space<vmem>> -> memref<1x128xi32, #tpu.memory_space<vmem>>
            %dma_wait3A_289 = tpu.memref_squeeze %dma_wait3A_288 : memref<1x128xi32, #tpu.memory_space<vmem>> -> memref<128xi32, #tpu.memory_space<vmem>>
            %dma_wait3A_290 = arith.constant 0 : i32
            %dma_wait3A_291 = tpu.memref_slice %arg9[%dma_wait3A_290] : memref<10240xf32, #tpu.memory_space<vmem_shared>> -> memref<10240xf32, #tpu.memory_space<vmem_shared>>
            tpu.wait_indirect_dma semaphore(%run_scoped3A : memref<!tpu.dma_semaphore, #tpu.memory_space<semaphore_mem>>) src(%arg24 : memref<128xf32, #tpu.memory_space<vmem>>) dst(%dma_wait3A_291 : memref<10240xf32, #tpu.memory_space<vmem_shared>>)
            tpu.yield
          }) : () -> ()
        } else {
        }
        %add3A_180 = arith.constant 2 : i32
        %add3A_181 = arith.addi %add3A_145, %add3A_180 : i32
        %gt3A_182 = arith.constant 0 : i32
        %gt3A_183 = arith.cmpi sgt, %scan3A_102, %gt3A_182 : i32
        %convert_element_type3A_184 = arith.extui %gt3A_183 : i1 to i32
        %cond3A_185 = arith.constant 0 : i32
        %cond3A_186 = arith.cmpi ne, %convert_element_type3A_184, %cond3A_185 : i32
        scf.if %cond3A_186 {
          %sub3A = arith.constant 1 : i32
          %sub3A_282 = arith.subi %add3A_145, %sub3A : i32
          %dma_wait3A_283 = arith.constant 0 : i32
          %dma_wait3A_284 = tpu.memref_slice %arg11[%sub3A_282, %dma_wait3A_283] : memref<32x128xi32, #tpu.memory_space<vmem>> -> memref<1x128xi32, #tpu.memory_space<vmem>>
          %dma_wait3A_285 = tpu.memref_squeeze %dma_wait3A_284 : memref<1x128xi32, #tpu.memory_space<vmem>> -> memref<128xi32, #tpu.memory_space<vmem>>
          %dma_wait3A_286 = arith.constant 0 : i32
          %dma_wait3A_287 = arith.constant 0 : i32
          %dma_wait3A_288 = tpu.memref_slice %arg8[%dma_wait3A_286, %dma_wait3A_287] : memref<10240x64xf32, #tpu.memory_space<vmem_shared>> -> memref<10240x64xf32, #tpu.memory_space<vmem_shared>>
          tpu.wait_indirect_dma semaphore(%arg23 : memref<!tpu.dma_semaphore, #tpu.memory_space<semaphore_mem>>) src(%arg15 : memref<128x64xf32, #tpu.memory_space<vmem>>) dst(%dma_wait3A_288 : memref<10240x64xf32, #tpu.memory_space<vmem_shared>>)
          %dma_start3A_289 = arith.constant 0 : i32
          %dma_start3A_290 = tpu.memref_slice %arg10[%add3A_181, %dma_start3A_289] : memref<32x128xi32, #tpu.memory_space<vmem>> -> memref<1x128xi32, #tpu.memory_space<vmem>>
          %dma_start3A_291 = tpu.memref_squeeze %dma_start3A_290 : memref<1x128xi32, #tpu.memory_space<vmem>> -> memref<128xi32, #tpu.memory_space<vmem>>
          %dma_start3A_292 = arith.constant 0 : i32
          %dma_start3A_293 = arith.constant 0 : i32
          %dma_start3A_294 = tpu.memref_slice %arg7[%dma_start3A_292, %dma_start3A_293] : memref<10240x64xf32, #tpu.memory_space<vmem_shared>> -> memref<10240x64xf32, #tpu.memory_space<vmem_shared>>
          tpu.enqueue_indirect_dma source(%dma_start3A_294 : memref<10240x64xf32, #tpu.memory_space<vmem_shared>>) target(%arg15 : memref<128x64xf32, #tpu.memory_space<vmem>>) offsets(%dma_start3A_291 : memref<128xi32, #tpu.memory_space<vmem>>) semaphore(%arg19 : memref<!tpu.dma_semaphore, #tpu.memory_space<semaphore_mem>>)
        } else {
        }
        %eq3A_187 = arith.constant 0 : i32
        %eq3A_188 = arith.cmpi eq, %scan3A_102, %eq3A_187 : i32
        %convert_element_type3A_189 = arith.extui %eq3A_188 : i1 to i32
        %cond3A_190 = arith.constant 0 : i32
        %cond3A_191 = arith.cmpi ne, %convert_element_type3A_189, %cond3A_190 : i32
        scf.if %cond3A_191 {
          %dma_start3A_282 = arith.constant 0 : i32
          %dma_start3A_283 = tpu.memref_slice %arg10[%add3A_181, %dma_start3A_282] : memref<32x128xi32, #tpu.memory_space<vmem>> -> memref<1x128xi32, #tpu.memory_space<vmem>>
          %dma_start3A_284 = tpu.memref_squeeze %dma_start3A_283 : memref<1x128xi32, #tpu.memory_space<vmem>> -> memref<128xi32, #tpu.memory_space<vmem>>
          %dma_start3A_285 = arith.constant 0 : i32
          %dma_start3A_286 = arith.constant 0 : i32
          %dma_start3A_287 = tpu.memref_slice %arg7[%dma_start3A_285, %dma_start3A_286] : memref<10240x64xf32, #tpu.memory_space<vmem_shared>> -> memref<10240x64xf32, #tpu.memory_space<vmem_shared>>
          tpu.enqueue_indirect_dma source(%dma_start3A_287 : memref<10240x64xf32, #tpu.memory_space<vmem_shared>>) target(%arg15 : memref<128x64xf32, #tpu.memory_space<vmem>>) offsets(%dma_start3A_284 : memref<128xi32, #tpu.memory_space<vmem>>) semaphore(%arg19 : memref<!tpu.dma_semaphore, #tpu.memory_space<semaphore_mem>>)
        } else {
        }
        %mul3A_192 = arith.constant 4 : i32
        %mul3A_193 = arith.muli %scan3A_102, %mul3A_192 : i32
        %add3A_194 = arith.constant 2 : i32
        %add3A_195 = arith.addi %mul3A_193, %add3A_194 : i32
        %dma_wait3A_196 = arith.constant 0 : i32
        %dma_wait3A_197 = tpu.memref_slice %arg10[%add3A_195, %dma_wait3A_196] : memref<32x128xi32, #tpu.memory_space<vmem>> -> memref<1x128xi32, #tpu.memory_space<vmem>>
        %dma_wait3A_198 = tpu.memref_squeeze %dma_wait3A_197 : memref<1x128xi32, #tpu.memory_space<vmem>> -> memref<128xi32, #tpu.memory_space<vmem>>
        %dma_wait3A_199 = arith.constant 0 : i32
        %dma_wait3A_200 = arith.constant 0 : i32
        %dma_wait3A_201 = tpu.memref_slice %arg7[%dma_wait3A_199, %dma_wait3A_200] : memref<10240x64xf32, #tpu.memory_space<vmem_shared>> -> memref<10240x64xf32, #tpu.memory_space<vmem_shared>>
        tpu.wait_indirect_dma semaphore(%arg18 : memref<!tpu.dma_semaphore, #tpu.memory_space<semaphore_mem>>) src(%dma_wait3A_201 : memref<10240x64xf32, #tpu.memory_space<vmem_shared>>) dst(%arg14 : memref<128x64xf32, #tpu.memory_space<vmem>>)
        %dma_start3A_202 = arith.constant 0 : i32
        %dma_start3A_203 = tpu.memref_slice %arg11[%add3A_195, %dma_start3A_202] : memref<32x128xi32, #tpu.memory_space<vmem>> -> memref<1x128xi32, #tpu.memory_space<vmem>>
        %dma_start3A_204 = tpu.memref_squeeze %dma_start3A_203 : memref<1x128xi32, #tpu.memory_space<vmem>> -> memref<128xi32, #tpu.memory_space<vmem>>
        %dma_start3A_205 = arith.constant 0 : i32
        %dma_start3A_206 = arith.constant 0 : i32
        %dma_start3A_207 = tpu.memref_slice %arg8[%dma_start3A_205, %dma_start3A_206] : memref<10240x64xf32, #tpu.memory_space<vmem_shared>> -> memref<10240x64xf32, #tpu.memory_space<vmem_shared>>
        tpu.enqueue_indirect_dma source(%arg14 : memref<128x64xf32, #tpu.memory_space<vmem>>) target(%dma_start3A_207 : memref<10240x64xf32, #tpu.memory_space<vmem_shared>>) offsets(%dma_start3A_204 : memref<128xi32, #tpu.memory_space<vmem>>) semaphore(%arg22 : memref<!tpu.dma_semaphore, #tpu.memory_space<semaphore_mem>>) {add = true}
        %add3A_208 = arith.addi %add3A_195, %arg0 : i32
        %jit3A_209 = arith.constant 2 : i32
        %eq3A_210 = arith.constant 0 : i32
        %eq3A_211 = arith.cmpi eq, %jit3A_209, %eq3A_210 : i32
        %jit3A_212 = arith.constant 1 : i32
        %select_n3A_213 = arith.select %eq3A_211, %jit3A_212, %jit3A_209 : i32
        %rem3A_214 = arith.remsi %add3A_208, %select_n3A_213 : i32
        %ne3A_215 = arith.constant 0 : i32
        %ne3A_216 = arith.cmpi ne, %rem3A_214, %ne3A_215 : i32
        %lt3A_217 = arith.constant 0 : i32
        %lt3A_218 = arith.cmpi slt, %rem3A_214, %lt3A_217 : i32
        %lt3A_219 = arith.constant 0 : i32
        %lt3A_220 = arith.cmpi slt, %select_n3A_213, %lt3A_219 : i32
        %ne3A_221 = arith.xori %lt3A_218, %lt3A_220 : i1
        %and3A_222 = arith.andi %ne3A_221, %ne3A_216 : i1
        %add3A_223 = arith.addi %rem3A_214, %select_n3A_213 : i32
        %select_n3A_224 = arith.select %and3A_222, %add3A_223, %rem3A_214 : i32
        %eq3A_225 = arith.constant 0 : i32
        %eq3A_226 = arith.cmpi eq, %select_n3A_224, %eq3A_225 : i32
        %convert_element_type3A_227 = arith.extui %eq3A_226 : i1 to i32
        %cond3A_228 = arith.constant 0 : i32
        %cond3A_229 = arith.cmpi ne, %convert_element_type3A_227, %cond3A_228 : i32
        scf.if %cond3A_229 {
          "tpu.region"() ({
            %run_scoped3A = tpu.sem_alloc : memref<!tpu.dma_semaphore, #tpu.memory_space<semaphore_mem>>
            %dma_start3A_282 = arith.constant 0 : i32
            %dma_start3A_283 = tpu.memref_slice %arg11[%add3A_195, %dma_start3A_282] : memref<32x128xi32, #tpu.memory_space<vmem>> -> memref<1x128xi32, #tpu.memory_space<vmem>>
            %dma_start3A_284 = tpu.memref_squeeze %dma_start3A_283 : memref<1x128xi32, #tpu.memory_space<vmem>> -> memref<128xi32, #tpu.memory_space<vmem>>
            %dma_start3A_285 = arith.constant 0 : i32
            %dma_start3A_286 = tpu.memref_slice %arg9[%dma_start3A_285] : memref<10240xf32, #tpu.memory_space<vmem_shared>> -> memref<10240xf32, #tpu.memory_space<vmem_shared>>
            tpu.enqueue_indirect_dma source(%arg24 : memref<128xf32, #tpu.memory_space<vmem>>) target(%dma_start3A_286 : memref<10240xf32, #tpu.memory_space<vmem_shared>>) offsets(%dma_start3A_284 : memref<128xi32, #tpu.memory_space<vmem>>) semaphore(%run_scoped3A : memref<!tpu.dma_semaphore, #tpu.memory_space<semaphore_mem>>) {add = true}
            %dma_wait3A_287 = arith.constant 0 : i32
            %dma_wait3A_288 = tpu.memref_slice %arg11[%add3A_195, %dma_wait3A_287] : memref<32x128xi32, #tpu.memory_space<vmem>> -> memref<1x128xi32, #tpu.memory_space<vmem>>
            %dma_wait3A_289 = tpu.memref_squeeze %dma_wait3A_288 : memref<1x128xi32, #tpu.memory_space<vmem>> -> memref<128xi32, #tpu.memory_space<vmem>>
            %dma_wait3A_290 = arith.constant 0 : i32
            %dma_wait3A_291 = tpu.memref_slice %arg9[%dma_wait3A_290] : memref<10240xf32, #tpu.memory_space<vmem_shared>> -> memref<10240xf32, #tpu.memory_space<vmem_shared>>
            tpu.wait_indirect_dma semaphore(%run_scoped3A : memref<!tpu.dma_semaphore, #tpu.memory_space<semaphore_mem>>) src(%arg24 : memref<128xf32, #tpu.memory_space<vmem>>) dst(%dma_wait3A_291 : memref<10240xf32, #tpu.memory_space<vmem_shared>>)
            tpu.yield
          }) : () -> ()
        } else {
        }
        %add3A_230 = arith.constant 2 : i32
        %add3A_231 = arith.addi %add3A_195, %add3A_230 : i32
        %lt3A_232 = arith.constant 32 : i32
        %lt3A_233 = arith.cmpi slt, %add3A_231, %lt3A_232 : i32
        %convert_element_type3A_234 = arith.extui %lt3A_233 : i1 to i32
        %cond3A_235 = arith.constant 0 : i32
        %cond3A_236 = arith.cmpi ne, %convert_element_type3A_234, %cond3A_235 : i32
        scf.if %cond3A_236 {
          %sub3A = arith.constant 1 : i32
          %sub3A_282 = arith.subi %add3A_195, %sub3A : i32
          %dma_wait3A_283 = arith.constant 0 : i32
          %dma_wait3A_284 = tpu.memref_slice %arg11[%sub3A_282, %dma_wait3A_283] : memref<32x128xi32, #tpu.memory_space<vmem>> -> memref<1x128xi32, #tpu.memory_space<vmem>>
          %dma_wait3A_285 = tpu.memref_squeeze %dma_wait3A_284 : memref<1x128xi32, #tpu.memory_space<vmem>> -> memref<128xi32, #tpu.memory_space<vmem>>
          %dma_wait3A_286 = arith.constant 0 : i32
          %dma_wait3A_287 = arith.constant 0 : i32
          %dma_wait3A_288 = tpu.memref_slice %arg8[%dma_wait3A_286, %dma_wait3A_287] : memref<10240x64xf32, #tpu.memory_space<vmem_shared>> -> memref<10240x64xf32, #tpu.memory_space<vmem_shared>>
          tpu.wait_indirect_dma semaphore(%arg20 : memref<!tpu.dma_semaphore, #tpu.memory_space<semaphore_mem>>) src(%arg12 : memref<128x64xf32, #tpu.memory_space<vmem>>) dst(%dma_wait3A_288 : memref<10240x64xf32, #tpu.memory_space<vmem_shared>>)
          %dma_start3A_289 = arith.constant 0 : i32
          %dma_start3A_290 = tpu.memref_slice %arg10[%add3A_231, %dma_start3A_289] : memref<32x128xi32, #tpu.memory_space<vmem>> -> memref<1x128xi32, #tpu.memory_space<vmem>>
          %dma_start3A_291 = tpu.memref_squeeze %dma_start3A_290 : memref<1x128xi32, #tpu.memory_space<vmem>> -> memref<128xi32, #tpu.memory_space<vmem>>
          %dma_start3A_292 = arith.constant 0 : i32
          %dma_start3A_293 = arith.constant 0 : i32
          %dma_start3A_294 = tpu.memref_slice %arg7[%dma_start3A_292, %dma_start3A_293] : memref<10240x64xf32, #tpu.memory_space<vmem_shared>> -> memref<10240x64xf32, #tpu.memory_space<vmem_shared>>
          tpu.enqueue_indirect_dma source(%dma_start3A_294 : memref<10240x64xf32, #tpu.memory_space<vmem_shared>>) target(%arg12 : memref<128x64xf32, #tpu.memory_space<vmem>>) offsets(%dma_start3A_291 : memref<128xi32, #tpu.memory_space<vmem>>) semaphore(%arg16 : memref<!tpu.dma_semaphore, #tpu.memory_space<semaphore_mem>>)
        } else {
        }
        %mul3A_237 = arith.constant 4 : i32
        %mul3A_238 = arith.muli %scan3A_102, %mul3A_237 : i32
        %add3A_239 = arith.constant 3 : i32
        %add3A_240 = arith.addi %mul3A_238, %add3A_239 : i32
        %dma_wait3A_241 = arith.constant 0 : i32
        %dma_wait3A_242 = tpu.memref_slice %arg10[%add3A_240, %dma_wait3A_241] : memref<32x128xi32, #tpu.memory_space<vmem>> -> memref<1x128xi32, #tpu.memory_space<vmem>>
        %dma_wait3A_243 = tpu.memref_squeeze %dma_wait3A_242 : memref<1x128xi32, #tpu.memory_space<vmem>> -> memref<128xi32, #tpu.memory_space<vmem>>
        %dma_wait3A_244 = arith.constant 0 : i32
        %dma_wait3A_245 = arith.constant 0 : i32
        %dma_wait3A_246 = tpu.memref_slice %arg7[%dma_wait3A_244, %dma_wait3A_245] : memref<10240x64xf32, #tpu.memory_space<vmem_shared>> -> memref<10240x64xf32, #tpu.memory_space<vmem_shared>>
        tpu.wait_indirect_dma semaphore(%arg19 : memref<!tpu.dma_semaphore, #tpu.memory_space<semaphore_mem>>) src(%dma_wait3A_246 : memref<10240x64xf32, #tpu.memory_space<vmem_shared>>) dst(%arg15 : memref<128x64xf32, #tpu.memory_space<vmem>>)
        %dma_start3A_247 = arith.constant 0 : i32
        %dma_start3A_248 = tpu.memref_slice %arg11[%add3A_240, %dma_start3A_247] : memref<32x128xi32, #tpu.memory_space<vmem>> -> memref<1x128xi32, #tpu.memory_space<vmem>>
        %dma_start3A_249 = tpu.memref_squeeze %dma_start3A_248 : memref<1x128xi32, #tpu.memory_space<vmem>> -> memref<128xi32, #tpu.memory_space<vmem>>
        %dma_start3A_250 = arith.constant 0 : i32
        %dma_start3A_251 = arith.constant 0 : i32
        %dma_start3A_252 = tpu.memref_slice %arg8[%dma_start3A_250, %dma_start3A_251] : memref<10240x64xf32, #tpu.memory_space<vmem_shared>> -> memref<10240x64xf32, #tpu.memory_space<vmem_shared>>
        tpu.enqueue_indirect_dma source(%arg15 : memref<128x64xf32, #tpu.memory_space<vmem>>) target(%dma_start3A_252 : memref<10240x64xf32, #tpu.memory_space<vmem_shared>>) offsets(%dma_start3A_249 : memref<128xi32, #tpu.memory_space<vmem>>) semaphore(%arg23 : memref<!tpu.dma_semaphore, #tpu.memory_space<semaphore_mem>>) {add = true}
        %add3A_253 = arith.addi %add3A_240, %arg0 : i32
        %jit3A_254 = arith.constant 2 : i32
        %eq3A_255 = arith.constant 0 : i32
        %eq3A_256 = arith.cmpi eq, %jit3A_254, %eq3A_255 : i32
        %jit3A_257 = arith.constant 1 : i32
        %select_n3A_258 = arith.select %eq3A_256, %jit3A_257, %jit3A_254 : i32
        %rem3A_259 = arith.remsi %add3A_253, %select_n3A_258 : i32
        %ne3A_260 = arith.constant 0 : i32
        %ne3A_261 = arith.cmpi ne, %rem3A_259, %ne3A_260 : i32
        %lt3A_262 = arith.constant 0 : i32
        %lt3A_263 = arith.cmpi slt, %rem3A_259, %lt3A_262 : i32
        %lt3A_264 = arith.constant 0 : i32
        %lt3A_265 = arith.cmpi slt, %select_n3A_258, %lt3A_264 : i32
        %ne3A_266 = arith.xori %lt3A_263, %lt3A_265 : i1
        %and3A_267 = arith.andi %ne3A_266, %ne3A_261 : i1
        %add3A_268 = arith.addi %rem3A_259, %select_n3A_258 : i32
        %select_n3A_269 = arith.select %and3A_267, %add3A_268, %rem3A_259 : i32
        %eq3A_270 = arith.constant 0 : i32
        %eq3A_271 = arith.cmpi eq, %select_n3A_269, %eq3A_270 : i32
        %convert_element_type3A_272 = arith.extui %eq3A_271 : i1 to i32
        %cond3A_273 = arith.constant 0 : i32
        %cond3A_274 = arith.cmpi ne, %convert_element_type3A_272, %cond3A_273 : i32
        scf.if %cond3A_274 {
          "tpu.region"() ({
            %run_scoped3A = tpu.sem_alloc : memref<!tpu.dma_semaphore, #tpu.memory_space<semaphore_mem>>
            %dma_start3A_282 = arith.constant 0 : i32
            %dma_start3A_283 = tpu.memref_slice %arg11[%add3A_240, %dma_start3A_282] : memref<32x128xi32, #tpu.memory_space<vmem>> -> memref<1x128xi32, #tpu.memory_space<vmem>>
            %dma_start3A_284 = tpu.memref_squeeze %dma_start3A_283 : memref<1x128xi32, #tpu.memory_space<vmem>> -> memref<128xi32, #tpu.memory_space<vmem>>
            %dma_start3A_285 = arith.constant 0 : i32
            %dma_start3A_286 = tpu.memref_slice %arg9[%dma_start3A_285] : memref<10240xf32, #tpu.memory_space<vmem_shared>> -> memref<10240xf32, #tpu.memory_space<vmem_shared>>
            tpu.enqueue_indirect_dma source(%arg24 : memref<128xf32, #tpu.memory_space<vmem>>) target(%dma_start3A_286 : memref<10240xf32, #tpu.memory_space<vmem_shared>>) offsets(%dma_start3A_284 : memref<128xi32, #tpu.memory_space<vmem>>) semaphore(%run_scoped3A : memref<!tpu.dma_semaphore, #tpu.memory_space<semaphore_mem>>) {add = true}
            %dma_wait3A_287 = arith.constant 0 : i32
            %dma_wait3A_288 = tpu.memref_slice %arg11[%add3A_240, %dma_wait3A_287] : memref<32x128xi32, #tpu.memory_space<vmem>> -> memref<1x128xi32, #tpu.memory_space<vmem>>
            %dma_wait3A_289 = tpu.memref_squeeze %dma_wait3A_288 : memref<1x128xi32, #tpu.memory_space<vmem>> -> memref<128xi32, #tpu.memory_space<vmem>>
            %dma_wait3A_290 = arith.constant 0 : i32
            %dma_wait3A_291 = tpu.memref_slice %arg9[%dma_wait3A_290] : memref<10240xf32, #tpu.memory_space<vmem_shared>> -> memref<10240xf32, #tpu.memory_space<vmem_shared>>
            tpu.wait_indirect_dma semaphore(%run_scoped3A : memref<!tpu.dma_semaphore, #tpu.memory_space<semaphore_mem>>) src(%arg24 : memref<128xf32, #tpu.memory_space<vmem>>) dst(%dma_wait3A_291 : memref<10240xf32, #tpu.memory_space<vmem_shared>>)
            tpu.yield
          }) : () -> ()
        } else {
        }
        %add3A_275 = arith.constant 2 : i32
        %add3A_276 = arith.addi %add3A_240, %add3A_275 : i32
        %lt3A_277 = arith.constant 32 : i32
        %lt3A_278 = arith.cmpi slt, %add3A_276, %lt3A_277 : i32
        %convert_element_type3A_279 = arith.extui %lt3A_278 : i1 to i32
        %cond3A_280 = arith.constant 0 : i32
        %cond3A_281 = arith.cmpi ne, %convert_element_type3A_279, %cond3A_280 : i32
        scf.if %cond3A_281 {
          %sub3A = arith.constant 1 : i32
          %sub3A_282 = arith.subi %add3A_240, %sub3A : i32
          %dma_wait3A_283 = arith.constant 0 : i32
          %dma_wait3A_284 = tpu.memref_slice %arg11[%sub3A_282, %dma_wait3A_283] : memref<32x128xi32, #tpu.memory_space<vmem>> -> memref<1x128xi32, #tpu.memory_space<vmem>>
          %dma_wait3A_285 = tpu.memref_squeeze %dma_wait3A_284 : memref<1x128xi32, #tpu.memory_space<vmem>> -> memref<128xi32, #tpu.memory_space<vmem>>
          %dma_wait3A_286 = arith.constant 0 : i32
          %dma_wait3A_287 = arith.constant 0 : i32
          %dma_wait3A_288 = tpu.memref_slice %arg8[%dma_wait3A_286, %dma_wait3A_287] : memref<10240x64xf32, #tpu.memory_space<vmem_shared>> -> memref<10240x64xf32, #tpu.memory_space<vmem_shared>>
          tpu.wait_indirect_dma semaphore(%arg21 : memref<!tpu.dma_semaphore, #tpu.memory_space<semaphore_mem>>) src(%arg13 : memref<128x64xf32, #tpu.memory_space<vmem>>) dst(%dma_wait3A_288 : memref<10240x64xf32, #tpu.memory_space<vmem_shared>>)
          %dma_start3A_289 = arith.constant 0 : i32
          %dma_start3A_290 = tpu.memref_slice %arg10[%add3A_276, %dma_start3A_289] : memref<32x128xi32, #tpu.memory_space<vmem>> -> memref<1x128xi32, #tpu.memory_space<vmem>>
          %dma_start3A_291 = tpu.memref_squeeze %dma_start3A_290 : memref<1x128xi32, #tpu.memory_space<vmem>> -> memref<128xi32, #tpu.memory_space<vmem>>
          %dma_start3A_292 = arith.constant 0 : i32
          %dma_start3A_293 = arith.constant 0 : i32
          %dma_start3A_294 = tpu.memref_slice %arg7[%dma_start3A_292, %dma_start3A_293] : memref<10240x64xf32, #tpu.memory_space<vmem_shared>> -> memref<10240x64xf32, #tpu.memory_space<vmem_shared>>
          tpu.enqueue_indirect_dma source(%dma_start3A_294 : memref<10240x64xf32, #tpu.memory_space<vmem_shared>>) target(%arg13 : memref<128x64xf32, #tpu.memory_space<vmem>>) offsets(%dma_start3A_291 : memref<128xi32, #tpu.memory_space<vmem>>) semaphore(%arg17 : memref<!tpu.dma_semaphore, #tpu.memory_space<semaphore_mem>>)
        } else {
        }
      }
      %scan3A_73 = arith.constant 8 : i32
      %dma_wait3A = arith.constant 28 : i32
      %dma_wait3A_74 = arith.constant 0 : i32
      %dma_wait3A_75 = tpu.memref_slice %arg11[%dma_wait3A, %dma_wait3A_74] : memref<32x128xi32, #tpu.memory_space<vmem>> -> memref<1x128xi32, #tpu.memory_space<vmem>>
      %dma_wait3A_76 = tpu.memref_squeeze %dma_wait3A_75 : memref<1x128xi32, #tpu.memory_space<vmem>> -> memref<128xi32, #tpu.memory_space<vmem>>
      %dma_wait3A_77 = arith.constant 0 : i32
      %dma_wait3A_78 = arith.constant 0 : i32
      %dma_wait3A_79 = tpu.memref_slice %arg8[%dma_wait3A_77, %dma_wait3A_78] : memref<10240x64xf32, #tpu.memory_space<vmem_shared>> -> memref<10240x64xf32, #tpu.memory_space<vmem_shared>>
      tpu.wait_indirect_dma semaphore(%arg20 : memref<!tpu.dma_semaphore, #tpu.memory_space<semaphore_mem>>) src(%arg12 : memref<128x64xf32, #tpu.memory_space<vmem>>) dst(%dma_wait3A_79 : memref<10240x64xf32, #tpu.memory_space<vmem_shared>>)
      %dma_wait3A_80 = arith.constant 29 : i32
      %dma_wait3A_81 = arith.constant 0 : i32
      %dma_wait3A_82 = tpu.memref_slice %arg11[%dma_wait3A_80, %dma_wait3A_81] : memref<32x128xi32, #tpu.memory_space<vmem>> -> memref<1x128xi32, #tpu.memory_space<vmem>>
      %dma_wait3A_83 = tpu.memref_squeeze %dma_wait3A_82 : memref<1x128xi32, #tpu.memory_space<vmem>> -> memref<128xi32, #tpu.memory_space<vmem>>
      %dma_wait3A_84 = arith.constant 0 : i32
      %dma_wait3A_85 = arith.constant 0 : i32
      %dma_wait3A_86 = tpu.memref_slice %arg8[%dma_wait3A_84, %dma_wait3A_85] : memref<10240x64xf32, #tpu.memory_space<vmem_shared>> -> memref<10240x64xf32, #tpu.memory_space<vmem_shared>>
      tpu.wait_indirect_dma semaphore(%arg21 : memref<!tpu.dma_semaphore, #tpu.memory_space<semaphore_mem>>) src(%arg13 : memref<128x64xf32, #tpu.memory_space<vmem>>) dst(%dma_wait3A_86 : memref<10240x64xf32, #tpu.memory_space<vmem_shared>>)
      %dma_wait3A_87 = arith.constant 30 : i32
      %dma_wait3A_88 = arith.constant 0 : i32
      %dma_wait3A_89 = tpu.memref_slice %arg11[%dma_wait3A_87, %dma_wait3A_88] : memref<32x128xi32, #tpu.memory_space<vmem>> -> memref<1x128xi32, #tpu.memory_space<vmem>>
      %dma_wait3A_90 = tpu.memref_squeeze %dma_wait3A_89 : memref<1x128xi32, #tpu.memory_space<vmem>> -> memref<128xi32, #tpu.memory_space<vmem>>
      %dma_wait3A_91 = arith.constant 0 : i32
      %dma_wait3A_92 = arith.constant 0 : i32
      %dma_wait3A_93 = tpu.memref_slice %arg8[%dma_wait3A_91, %dma_wait3A_92] : memref<10240x64xf32, #tpu.memory_space<vmem_shared>> -> memref<10240x64xf32, #tpu.memory_space<vmem_shared>>
      tpu.wait_indirect_dma semaphore(%arg22 : memref<!tpu.dma_semaphore, #tpu.memory_space<semaphore_mem>>) src(%arg14 : memref<128x64xf32, #tpu.memory_space<vmem>>) dst(%dma_wait3A_93 : memref<10240x64xf32, #tpu.memory_space<vmem_shared>>)
      %dma_wait3A_94 = arith.constant 31 : i32
      %dma_wait3A_95 = arith.constant 0 : i32
      %dma_wait3A_96 = tpu.memref_slice %arg11[%dma_wait3A_94, %dma_wait3A_95] : memref<32x128xi32, #tpu.memory_space<vmem>> -> memref<1x128xi32, #tpu.memory_space<vmem>>
      %dma_wait3A_97 = tpu.memref_squeeze %dma_wait3A_96 : memref<1x128xi32, #tpu.memory_space<vmem>> -> memref<128xi32, #tpu.memory_space<vmem>>
      %dma_wait3A_98 = arith.constant 0 : i32
      %dma_wait3A_99 = arith.constant 0 : i32
      %dma_wait3A_100 = tpu.memref_slice %arg8[%dma_wait3A_98, %dma_wait3A_99] : memref<10240x64xf32, #tpu.memory_space<vmem_shared>> -> memref<10240x64xf32, #tpu.memory_space<vmem_shared>>
      tpu.wait_indirect_dma semaphore(%arg23 : memref<!tpu.dma_semaphore, #tpu.memory_space<semaphore_mem>>) src(%arg15 : memref<128x64xf32, #tpu.memory_space<vmem>>) dst(%dma_wait3A_100 : memref<10240x64xf32, #tpu.memory_space<vmem_shared>>)
      %scan3A_101 = arith.constant 0 : i32
      scf.yield %scan3A_101 : i32
    }
    %scan3A_41 = arith.constant 5 : i32
    %barrier3A_42 = arith.constant 0 : index
    tpu.barrier barrier_id(%barrier3A_42)
    %mul3A_43 = arith.constant 640 : i32
    %mul3A_44 = arith.muli %arg1, %mul3A_43 : i32
    %mul3A_45 = arith.constant 640 : i32
    %mul3A_46 = arith.muli %arg1, %mul3A_45 : i32
    "tpu.region"() ({
      %run_scoped3A = tpu.sem_alloc : memref<!tpu.dma_semaphore, #tpu.memory_space<semaphore_mem>>
      %dma_start3A = arith.constant 0 : i32
      %dma_start3A_51 = tpu.memref_slice %arg5[%arg0, %mul3A_46, %dma_start3A] : memref<2x10240x64xf32, #tpu.memory_space<hbm>> -> memref<1x640x64xf32, #tpu.memory_space<hbm>>
      %dma_start3A_52 = tpu.memref_squeeze %dma_start3A_51 : memref<1x640x64xf32, #tpu.memory_space<hbm>> -> memref<640x64xf32, #tpu.memory_space<hbm>>
      %dma_start3A_53 = arith.constant 0 : i32
      %dma_start3A_54 = tpu.memref_slice %arg8[%mul3A_44, %dma_start3A_53] : memref<10240x64xf32, #tpu.memory_space<vmem_shared>> -> memref<640x64xf32, #tpu.memory_space<vmem_shared>>
      tpu.enqueue_dma source(%dma_start3A_54 : memref<640x64xf32, #tpu.memory_space<vmem_shared>>) target(%dma_start3A_52 : memref<640x64xf32, #tpu.memory_space<hbm>>) target_semaphore(%run_scoped3A : memref<!tpu.dma_semaphore, #tpu.memory_space<semaphore_mem>>)
      %dma_wait3A = arith.constant 0 : i32
      %dma_wait3A_55 = tpu.memref_slice %arg5[%arg0, %mul3A_46, %dma_wait3A] : memref<2x10240x64xf32, #tpu.memory_space<hbm>> -> memref<1x640x64xf32, #tpu.memory_space<hbm>>
      %dma_wait3A_56 = tpu.memref_squeeze %dma_wait3A_55 : memref<1x640x64xf32, #tpu.memory_space<hbm>> -> memref<640x64xf32, #tpu.memory_space<hbm>>
      %dma_wait3A_57 = arith.constant 0 : i32
      %dma_wait3A_58 = tpu.memref_slice %arg8[%mul3A_44, %dma_wait3A_57] : memref<10240x64xf32, #tpu.memory_space<vmem_shared>> -> memref<640x64xf32, #tpu.memory_space<vmem_shared>>
      tpu.wait_dma2 semaphore(%run_scoped3A : memref<!tpu.dma_semaphore, #tpu.memory_space<semaphore_mem>>) src(%dma_wait3A_58 : memref<640x64xf32, #tpu.memory_space<vmem_shared>>) dst(%dma_wait3A_56 : memref<640x64xf32, #tpu.memory_space<hbm>>)
      tpu.yield
    }) : () -> ()
    %mul3A_47 = arith.constant 640 : i32
    %mul3A_48 = arith.muli %arg1, %mul3A_47 : i32
    %mul3A_49 = arith.constant 640 : i32
    %mul3A_50 = arith.muli %arg1, %mul3A_49 : i32
    "tpu.region"() ({
      %run_scoped3A = tpu.sem_alloc : memref<!tpu.dma_semaphore, #tpu.memory_space<semaphore_mem>>
      %dma_start3A = tpu.memref_slice %arg6[%arg0, %mul3A_50] : memref<2x10240xf32, #tpu.memory_space<hbm>> -> memref<1x640xf32, #tpu.memory_space<hbm>>
      %dma_start3A_51 = tpu.memref_squeeze %dma_start3A : memref<1x640xf32, #tpu.memory_space<hbm>> -> memref<640xf32, #tpu.memory_space<hbm>>
      %dma_start3A_52 = tpu.memref_slice %arg9[%mul3A_48] : memref<10240xf32, #tpu.memory_space<vmem_shared>> -> memref<640xf32, #tpu.memory_space<vmem_shared>>
      tpu.enqueue_dma source(%dma_start3A_52 : memref<640xf32, #tpu.memory_space<vmem_shared>>) target(%dma_start3A_51 : memref<640xf32, #tpu.memory_space<hbm>>) target_semaphore(%run_scoped3A : memref<!tpu.dma_semaphore, #tpu.memory_space<semaphore_mem>>)
      %dma_wait3A = tpu.memref_slice %arg6[%arg0, %mul3A_50] : memref<2x10240xf32, #tpu.memory_space<hbm>> -> memref<1x640xf32, #tpu.memory_space<hbm>>
      %dma_wait3A_53 = tpu.memref_squeeze %dma_wait3A : memref<1x640xf32, #tpu.memory_space<hbm>> -> memref<640xf32, #tpu.memory_space<hbm>>
      %dma_wait3A_54 = tpu.memref_slice %arg9[%mul3A_48] : memref<10240xf32, #tpu.memory_space<vmem_shared>> -> memref<640xf32, #tpu.memory_space<vmem_shared>>
      tpu.wait_dma2 semaphore(%run_scoped3A : memref<!tpu.dma_semaphore, #tpu.memory_space<semaphore_mem>>) src(%dma_wait3A_54 : memref<640xf32, #tpu.memory_space<vmem_shared>>) dst(%dma_wait3A_53 : memref<640xf32, #tpu.memory_space<hbm>>)
      tpu.yield
    }) : () -> ()
    return
  }
}

module attributes {stable_mosaic.version = 14 : i64} {
  func.func @_split_body(%arg0: i32, %arg1: memref<1280x128xf32, #tpu.memory_space<vmem>>, %arg2: memref<2x1280x64xf32, #tpu.memory_space<vmem>>) attributes {dimension_semantics = [#tpu.dimension_semantics<arbitrary>], iteration_bounds = array<i64: 8>, scalar_prefetch = 0 : i64, scratch_operands = 0 : i64, tpu.core_type = #tpu.core_type<tc>, window_params = [{transform_indices = @transform_0, window_bounds = array<i64: 1280, 128>}, {transform_indices = @transform_1, window_bounds = array<i64: 2, 1280, 64>}]} {
    %get3A = arith.constant 0 : index
    %get3A_0 = arith.constant 0 : index
    %get3A_1 = vector.load %arg1[%get3A, %get3A_0] : memref<1280x128xf32, #tpu.memory_space<vmem>>, vector<1280x64xf32>
    %swap3A = arith.constant 0 : index
    %swap3A_2 = arith.constant 0 : index
    %swap3A_3 = arith.constant 0 : index
    %swap3A_4 = vector.load %arg2[%swap3A, %swap3A_2, %swap3A_3] : memref<2x1280x64xf32, #tpu.memory_space<vmem>>, vector<1x1280x64xf32>
    %swap3A_5 = vector.shape_cast %swap3A_4 : vector<1x1280x64xf32> to vector<1280x64xf32>
    %swap3A_6 = vector.shape_cast %get3A_1 : vector<1280x64xf32> to vector<1x1280x64xf32>
    tpu.vector_store %arg2[%swap3A, %swap3A_2, %swap3A_3], %swap3A_6 {strides = array<i32>} : memref<2x1280x64xf32, #tpu.memory_space<vmem>>, vector<1x1280x64xf32>,
    %get3A_7 = arith.constant 0 : index
    %get3A_8 = arith.constant 64 : index
    %get3A_9 = vector.load %arg1[%get3A_7, %get3A_8] : memref<1280x128xf32, #tpu.memory_space<vmem>>, vector<1280x64xf32>
    %swap3A_10 = arith.constant 1 : index
    %swap3A_11 = arith.constant 0 : index
    %swap3A_12 = arith.constant 0 : index
    %swap3A_13 = vector.load %arg2[%swap3A_10, %swap3A_11, %swap3A_12] : memref<2x1280x64xf32, #tpu.memory_space<vmem>>, vector<1x1280x64xf32>
    %swap3A_14 = vector.shape_cast %swap3A_13 : vector<1x1280x64xf32> to vector<1280x64xf32>
    %swap3A_15 = vector.shape_cast %get3A_9 : vector<1280x64xf32> to vector<1x1280x64xf32>
    tpu.vector_store %arg2[%swap3A_10, %swap3A_11, %swap3A_12], %swap3A_15 {strides = array<i32>} : memref<2x1280x64xf32, #tpu.memory_space<vmem>>, vector<1x1280x64xf32>,
    return
  }
  func.func @transform_0(%arg0: i32) -> (i32, i32) {
    %c0_i32 = arith.constant 0 : i32
    %c0_i32_0 = arith.constant 0 : i32
    return %arg0, %c0_i32 : i32, i32
  }
  func.func @transform_1(%arg0: i32) -> (i32, i32, i32) {
    %c0_i32 = arith.constant 0 : i32
    %c0_i32_0 = arith.constant 0 : i32
    %c0_i32_1 = arith.constant 0 : i32
    return %c0_i32, %arg0, %c0_i32_0 : i32, i32, i32
  }
}

module attributes {stable_mosaic.version = 14 : i64} {
  func.func @_layer_body(%arg0: i32, %arg1: memref<2x1280x64xf32, #tpu.memory_space<vmem>>, %arg2: memref<2x10240xf32, #tpu.memory_space<vmem>>, %arg3: memref<1280x128xf32, #tpu.memory_space<vmem>>, %arg4: memref<128x128xf32, #tpu.memory_space<vmem>>, %arg5: memref<1x128xf32, #tpu.memory_space<vmem>>, %arg6: memref<128x128xf32, #tpu.memory_space<vmem>>, %arg7: memref<1280x128xf32, #tpu.memory_space<vmem>>, %arg8: memref<2x1280x64xf32, #tpu.memory_space<vmem>>) attributes {dimension_semantics = [#tpu.dimension_semantics<arbitrary>], iteration_bounds = array<i64: 8>, scalar_prefetch = 0 : i64, scratch_operands = 0 : i64, tpu.core_type = #tpu.core_type<tc>, window_params = [{transform_indices = @transform_0, window_bounds = array<i64: 2, 1280, 64>}, {pipeline_mode = #tpu.pipeline_mode<synchronous>, transform_indices = @transform_1, window_bounds = array<i64: 2, 10240>}, {transform_indices = @transform_2, window_bounds = array<i64: 1280, 128>}, {pipeline_mode = #tpu.pipeline_mode<synchronous>, transform_indices = @transform_3, window_bounds = array<i64: 128, 128>}, {pipeline_mode = #tpu.pipeline_mode<synchronous>, transform_indices = @transform_4, window_bounds = array<i64: 1, 128>}, {pipeline_mode = #tpu.pipeline_mode<synchronous>, transform_indices = @transform_5, window_bounds = array<i64: 128, 128>}, {transform_indices = @transform_6, window_bounds = array<i64: 1280, 128>}, {transform_indices = @transform_7, window_bounds = array<i64: 2, 1280, 64>}]} {
    %mul3A = arith.constant 1280 : i32
    %mul3A_0 = arith.muli %arg0, %mul3A : i32
    %get3A = arith.constant 0 : index
    %get3A_1 = arith.index_cast %mul3A_0 : i32 to index
    %get3A_2 = vector.load %arg2[%get3A, %get3A_1] : memref<2x10240xf32, #tpu.memory_space<vmem>>, vector<1x1280xf32>
    %get3A_3 = vector.shape_cast %get3A_2 : vector<1x1280xf32> to vector<1280xf32>
    %mul3A_4 = arith.constant 1280 : i32
    %mul3A_5 = arith.muli %arg0, %mul3A_4 : i32
    %get3A_6 = arith.constant 1 : index
    %get3A_7 = arith.index_cast %mul3A_5 : i32 to index
    %get3A_8 = vector.load %arg2[%get3A_6, %get3A_7] : memref<2x10240xf32, #tpu.memory_space<vmem>>, vector<1x1280xf32>
    %get3A_9 = vector.shape_cast %get3A_8 : vector<1x1280xf32> to vector<1280xf32>
    %add3A = arith.addf %get3A_3, %get3A_9 : vector<1280xf32>
    %max3A = arith.constant 1.000000e+00 : f32
    %max3A_10 = vector.broadcast %max3A : f32 to vector<1280xf32>
    %max3A_11 = arith.maximumf %add3A, %max3A_10 : vector<1280xf32>
    %div3A = arith.constant 1.000000e+00 : f32
    %div3A_12 = vector.broadcast %div3A : f32 to vector<1280xf32>
    %div3A_13 = arith.divf %div3A_12, %max3A_11 : vector<1280xf32>
    %get3A_14 = arith.constant 0 : index
    %get3A_15 = arith.constant 0 : index
    %get3A_16 = arith.constant 0 : index
    %get3A_17 = vector.load %arg1[%get3A_14, %get3A_15, %get3A_16] : memref<2x1280x64xf32, #tpu.memory_space<vmem>>, vector<1x1280x64xf32>
    %get3A_18 = vector.shape_cast %get3A_17 : vector<1x1280x64xf32> to vector<1280x64xf32>
    %get3A_19 = arith.constant 1 : index
    %get3A_20 = arith.constant 0 : index
    %get3A_21 = arith.constant 0 : index
    %get3A_22 = vector.load %arg1[%get3A_19, %get3A_20, %get3A_21] : memref<2x1280x64xf32, #tpu.memory_space<vmem>>, vector<1x1280x64xf32>
    %get3A_23 = vector.shape_cast %get3A_22 : vector<1x1280x64xf32> to vector<1280x64xf32>
    %concatenate3A = tpu.concatenate %get3A_18, %get3A_23 in 1 : vector<1280x64xf32>, vector<1280x64xf32> -> vector<1280x128xf32>
    %broadcast_in_dim3A = vector.shape_cast %div3A_13 : vector<1280xf32> to vector<1280x1xf32>
    %mul3A_24 = vector.broadcast %broadcast_in_dim3A : vector<1280x1xf32> to vector<1280x128xf32>
    %mul3A_25 = arith.mulf %concatenate3A, %mul3A_24 : vector<1280x128xf32>
    %get3A_26 = arith.constant 0 : index
    %get3A_27 = arith.constant 0 : index
    %get3A_28 = vector.load %arg4[%get3A_26, %get3A_27] : memref<128x128xf32, #tpu.memory_space<vmem>>, vector<128x128xf32>
    %dot_general3A = arith.constant dense<0.000000e+00> : vector<1280x128xf32>
    %dot_general3A_29 = tpu.matmul %mul3A_25, %get3A_28, %dot_general3A {dimension_numbers = #tpu.dot_dimension_numbers<[1], [0], [0], [1], [0, 0, 1, 1], [], []>, transpose_lhs_hint = false} : vector<1280x128xf32>, vector<128x128xf32>, vector<1280x128xf32> -> vector<1280x128xf32>
    %get3A_30 = arith.constant 0 : index
    %get3A_31 = arith.constant 0 : index
    %get3A_32 = vector.load %arg3[%get3A_30, %get3A_31] : memref<1280x128xf32, #tpu.memory_space<vmem>>, vector<1280x128xf32>
    %get3A_33 = arith.constant 0 : index
    %get3A_34 = arith.constant 0 : index
    %get3A_35 = vector.load %arg6[%get3A_33, %get3A_34] : memref<128x128xf32, #tpu.memory_space<vmem>>, vector<128x128xf32>
    %dot_general3A_36 = arith.constant dense<0.000000e+00> : vector<1280x128xf32>
    %dot_general3A_37 = tpu.matmul %get3A_32, %get3A_35, %dot_general3A_36 {dimension_numbers = #tpu.dot_dimension_numbers<[1], [0], [0], [1], [0, 0, 1, 1], [], []>, transpose_lhs_hint = false} : vector<1280x128xf32>, vector<128x128xf32>, vector<1280x128xf32> -> vector<1280x128xf32>
    %add3A_38 = arith.addf %dot_general3A_29, %dot_general3A_37 : vector<1280x128xf32>
    %get3A_39 = arith.constant 0 : index
    %get3A_40 = arith.constant 0 : index
    %get3A_41 = vector.load %arg5[%get3A_39, %get3A_40] : memref<1x128xf32, #tpu.memory_space<vmem>>, vector<1x128xf32>
    %add3A_42 = vector.broadcast %get3A_41 : vector<1x128xf32> to vector<1280x128xf32>
    %add3A_43 = arith.addf %add3A_38, %add3A_42 : vector<1280x128xf32>
    %max3A_44 = arith.constant 0.000000e+00 : f32
    %max3A_45 = vector.broadcast %max3A_44 : f32 to vector<1280x128xf32>
    %max3A_46 = arith.maximumf %add3A_43, %max3A_45 : vector<1280x128xf32>
    %swap3A = arith.constant 0 : index
    %swap3A_47 = arith.constant 0 : index
    %swap3A_48 = vector.load %arg7[%swap3A, %swap3A_47] : memref<1280x128xf32, #tpu.memory_space<vmem>>, vector<1280x128xf32>
    tpu.vector_store %arg7[%swap3A, %swap3A_47], %max3A_46 {strides = array<i32>} : memref<1280x128xf32, #tpu.memory_space<vmem>>, vector<1280x128xf32>,
    %slice3A = vector.extract_strided_slice %max3A_46 {offsets = [0, 0], sizes = [1280, 64], strides = [1, 1]} : vector<1280x128xf32> to vector<1280x64xf32>
    %swap3A_49 = arith.constant 0 : index
    %swap3A_50 = arith.constant 0 : index
    %swap3A_51 = arith.constant 0 : index
    %swap3A_52 = vector.load %arg8[%swap3A_49, %swap3A_50, %swap3A_51] : memref<2x1280x64xf32, #tpu.memory_space<vmem>>, vector<1x1280x64xf32>
    %swap3A_53 = vector.shape_cast %swap3A_52 : vector<1x1280x64xf32> to vector<1280x64xf32>
    %swap3A_54 = vector.shape_cast %slice3A : vector<1280x64xf32> to vector<1x1280x64xf32>
    tpu.vector_store %arg8[%swap3A_49, %swap3A_50, %swap3A_51], %swap3A_54 {strides = array<i32>} : memref<2x1280x64xf32, #tpu.memory_space<vmem>>, vector<1x1280x64xf32>,
    %slice3A_55 = vector.extract_strided_slice %max3A_46 {offsets = [0, 64], sizes = [1280, 64], strides = [1, 1]} : vector<1280x128xf32> to vector<1280x64xf32>
    %swap3A_56 = arith.constant 1 : index
    %swap3A_57 = arith.constant 0 : index
    %swap3A_58 = arith.constant 0 : index
    %swap3A_59 = vector.load %arg8[%swap3A_56, %swap3A_57, %swap3A_58] : memref<2x1280x64xf32, #tpu.memory_space<vmem>>, vector<1x1280x64xf32>
    %swap3A_60 = vector.shape_cast %swap3A_59 : vector<1x1280x64xf32> to vector<1280x64xf32>
    %swap3A_61 = vector.shape_cast %slice3A_55 : vector<1280x64xf32> to vector<1x1280x64xf32>
    tpu.vector_store %arg8[%swap3A_56, %swap3A_57, %swap3A_58], %swap3A_61 {strides = array<i32>} : memref<2x1280x64xf32, #tpu.memory_space<vmem>>, vector<1x1280x64xf32>,
    return
  }
  func.func @transform_0(%arg0: i32) -> (i32, i32, i32) {
    %c0_i32 = arith.constant 0 : i32
    %c0_i32_0 = arith.constant 0 : i32
    %c0_i32_1 = arith.constant 0 : i32
    return %c0_i32, %arg0, %c0_i32_0 : i32, i32, i32
  }
  func.func @transform_1(%arg0: i32) -> (i32, i32) {
    %c0_i32 = arith.constant 0 : i32
    %c0_i32_0 = arith.constant 0 : i32
    %c0_i32_1 = arith.constant 0 : i32
    return %c0_i32, %c0_i32_0 : i32, i32
  }
  func.func @transform_2(%arg0: i32) -> (i32, i32) {
    %c0_i32 = arith.constant 0 : i32
    %c0_i32_0 = arith.constant 0 : i32
    return %arg0, %c0_i32 : i32, i32
  }
  func.func @transform_3(%arg0: i32) -> (i32, i32) {
    %c0_i32 = arith.constant 0 : i32
    %c0_i32_0 = arith.constant 0 : i32
    %c0_i32_1 = arith.constant 0 : i32
    return %c0_i32, %c0_i32_0 : i32, i32
  }
  func.func @transform_4(%arg0: i32) -> (i32, i32) {
    %c0_i32 = arith.constant 0 : i32
    %c0_i32_0 = arith.constant 0 : i32
    %c0_i32_1 = arith.constant 0 : i32
    return %c0_i32, %c0_i32_0 : i32, i32
  }
  func.func @transform_5(%arg0: i32) -> (i32, i32) {
    %c0_i32 = arith.constant 0 : i32
    %c0_i32_0 = arith.constant 0 : i32
    %c0_i32_1 = arith.constant 0 : i32
    return %c0_i32, %c0_i32_0 : i32, i32
  }
  func.func @transform_6(%arg0: i32) -> (i32, i32) {
    %c0_i32 = arith.constant 0 : i32
    %c0_i32_0 = arith.constant 0 : i32
    return %arg0, %c0_i32 : i32, i32
  }
  func.func @transform_7(%arg0: i32) -> (i32, i32, i32) {
    %c0_i32 = arith.constant 0 : i32
    %c0_i32_0 = arith.constant 0 : i32
    %c0_i32_1 = arith.constant 0 : i32
    return %c0_i32, %arg0, %c0_i32_0 : i32, i32, i32
  }
}

module attributes {stable_mosaic.version = 14 : i64} {
  func.func @_layer_body(%arg0: i32, %arg1: memref<2x1280x64xf32, #tpu.memory_space<vmem>>, %arg2: memref<2x10240xf32, #tpu.memory_space<vmem>>, %arg3: memref<1280x128xf32, #tpu.memory_space<vmem>>, %arg4: memref<128x128xf32, #tpu.memory_space<vmem>>, %arg5: memref<1x128xf32, #tpu.memory_space<vmem>>, %arg6: memref<128x128xf32, #tpu.memory_space<vmem>>, %arg7: memref<1280x128xf32, #tpu.memory_space<vmem>>) attributes {dimension_semantics = [#tpu.dimension_semantics<arbitrary>], iteration_bounds = array<i64: 8>, scalar_prefetch = 0 : i64, scratch_operands = 0 : i64, tpu.core_type = #tpu.core_type<tc>, window_params = [{transform_indices = @transform_0, window_bounds = array<i64: 2, 1280, 64>}, {pipeline_mode = #tpu.pipeline_mode<synchronous>, transform_indices = @transform_1, window_bounds = array<i64: 2, 10240>}, {transform_indices = @transform_2, window_bounds = array<i64: 1280, 128>}, {pipeline_mode = #tpu.pipeline_mode<synchronous>, transform_indices = @transform_3, window_bounds = array<i64: 128, 128>}, {pipeline_mode = #tpu.pipeline_mode<synchronous>, transform_indices = @transform_4, window_bounds = array<i64: 1, 128>}, {pipeline_mode = #tpu.pipeline_mode<synchronous>, transform_indices = @transform_5, window_bounds = array<i64: 128, 128>}, {transform_indices = @transform_6, window_bounds = array<i64: 1280, 128>}]} {
    %mul3A = arith.constant 1280 : i32
    %mul3A_0 = arith.muli %arg0, %mul3A : i32
    %get3A = arith.constant 0 : index
    %get3A_1 = arith.index_cast %mul3A_0 : i32 to index
    %get3A_2 = vector.load %arg2[%get3A, %get3A_1] : memref<2x10240xf32, #tpu.memory_space<vmem>>, vector<1x1280xf32>
    %get3A_3 = vector.shape_cast %get3A_2 : vector<1x1280xf32> to vector<1280xf32>
    %mul3A_4 = arith.constant 1280 : i32
    %mul3A_5 = arith.muli %arg0, %mul3A_4 : i32
    %get3A_6 = arith.constant 1 : index
    %get3A_7 = arith.index_cast %mul3A_5 : i32 to index
    %get3A_8 = vector.load %arg2[%get3A_6, %get3A_7] : memref<2x10240xf32, #tpu.memory_space<vmem>>, vector<1x1280xf32>
    %get3A_9 = vector.shape_cast %get3A_8 : vector<1x1280xf32> to vector<1280xf32>
    %add3A = arith.addf %get3A_3, %get3A_9 : vector<1280xf32>
    %max3A = arith.constant 1.000000e+00 : f32
    %max3A_10 = vector.broadcast %max3A : f32 to vector<1280xf32>
    %max3A_11 = arith.maximumf %add3A, %max3A_10 : vector<1280xf32>
    %div3A = arith.constant 1.000000e+00 : f32
    %div3A_12 = vector.broadcast %div3A : f32 to vector<1280xf32>
    %div3A_13 = arith.divf %div3A_12, %max3A_11 : vector<1280xf32>
    %get3A_14 = arith.constant 0 : index
    %get3A_15 = arith.constant 0 : index
    %get3A_16 = arith.constant 0 : index
    %get3A_17 = vector.load %arg1[%get3A_14, %get3A_15, %get3A_16] : memref<2x1280x64xf32, #tpu.memory_space<vmem>>, vector<1x1280x64xf32>
    %get3A_18 = vector.shape_cast %get3A_17 : vector<1x1280x64xf32> to vector<1280x64xf32>
    %get3A_19 = arith.constant 1 : index
    %get3A_20 = arith.constant 0 : index
    %get3A_21 = arith.constant 0 : index
    %get3A_22 = vector.load %arg1[%get3A_19, %get3A_20, %get3A_21] : memref<2x1280x64xf32, #tpu.memory_space<vmem>>, vector<1x1280x64xf32>
    %get3A_23 = vector.shape_cast %get3A_22 : vector<1x1280x64xf32> to vector<1280x64xf32>
    %concatenate3A = tpu.concatenate %get3A_18, %get3A_23 in 1 : vector<1280x64xf32>, vector<1280x64xf32> -> vector<1280x128xf32>
    %broadcast_in_dim3A = vector.shape_cast %div3A_13 : vector<1280xf32> to vector<1280x1xf32>
    %mul3A_24 = vector.broadcast %broadcast_in_dim3A : vector<1280x1xf32> to vector<1280x128xf32>
    %mul3A_25 = arith.mulf %concatenate3A, %mul3A_24 : vector<1280x128xf32>
    %get3A_26 = arith.constant 0 : index
    %get3A_27 = arith.constant 0 : index
    %get3A_28 = vector.load %arg4[%get3A_26, %get3A_27] : memref<128x128xf32, #tpu.memory_space<vmem>>, vector<128x128xf32>
    %dot_general3A = arith.constant dense<0.000000e+00> : vector<1280x128xf32>
    %dot_general3A_29 = tpu.matmul %mul3A_25, %get3A_28, %dot_general3A {dimension_numbers = #tpu.dot_dimension_numbers<[1], [0], [0], [1], [0, 0, 1, 1], [], []>, transpose_lhs_hint = false} : vector<1280x128xf32>, vector<128x128xf32>, vector<1280x128xf32> -> vector<1280x128xf32>
    %get3A_30 = arith.constant 0 : index
    %get3A_31 = arith.constant 0 : index
    %get3A_32 = vector.load %arg3[%get3A_30, %get3A_31] : memref<1280x128xf32, #tpu.memory_space<vmem>>, vector<1280x128xf32>
    %get3A_33 = arith.constant 0 : index
    %get3A_34 = arith.constant 0 : index
    %get3A_35 = vector.load %arg6[%get3A_33, %get3A_34] : memref<128x128xf32, #tpu.memory_space<vmem>>, vector<128x128xf32>
    %dot_general3A_36 = arith.constant dense<0.000000e+00> : vector<1280x128xf32>
    %dot_general3A_37 = tpu.matmul %get3A_32, %get3A_35, %dot_general3A_36 {dimension_numbers = #tpu.dot_dimension_numbers<[1], [0], [0], [1], [0, 0, 1, 1], [], []>, transpose_lhs_hint = false} : vector<1280x128xf32>, vector<128x128xf32>, vector<1280x128xf32> -> vector<1280x128xf32>
    %add3A_38 = arith.addf %dot_general3A_29, %dot_general3A_37 : vector<1280x128xf32>
    %get3A_39 = arith.constant 0 : index
    %get3A_40 = arith.constant 0 : index
    %get3A_41 = vector.load %arg5[%get3A_39, %get3A_40] : memref<1x128xf32, #tpu.memory_space<vmem>>, vector<1x128xf32>
    %add3A_42 = vector.broadcast %get3A_41 : vector<1x128xf32> to vector<1280x128xf32>
    %add3A_43 = arith.addf %add3A_38, %add3A_42 : vector<1280x128xf32>
    %swap3A = arith.constant 0 : index
    %swap3A_44 = arith.constant 0 : index
    %swap3A_45 = vector.load %arg7[%swap3A, %swap3A_44] : memref<1280x128xf32, #tpu.memory_space<vmem>>, vector<1280x128xf32>
    tpu.vector_store %arg7[%swap3A, %swap3A_44], %add3A_43 {strides = array<i32>} : memref<1280x128xf32, #tpu.memory_space<vmem>>, vector<1280x128xf32>,
    return
  }
  func.func @transform_0(%arg0: i32) -> (i32, i32, i32) {
    %c0_i32 = arith.constant 0 : i32
    %c0_i32_0 = arith.constant 0 : i32
    %c0_i32_1 = arith.constant 0 : i32
    return %c0_i32, %arg0, %c0_i32_0 : i32, i32, i32
  }
  func.func @transform_1(%arg0: i32) -> (i32, i32) {
    %c0_i32 = arith.constant 0 : i32
    %c0_i32_0 = arith.constant 0 : i32
    %c0_i32_1 = arith.constant 0 : i32
    return %c0_i32, %c0_i32_0 : i32, i32
  }
  func.func @transform_2(%arg0: i32) -> (i32, i32) {
    %c0_i32 = arith.constant 0 : i32
    %c0_i32_0 = arith.constant 0 : i32
    return %arg0, %c0_i32 : i32, i32
  }
  func.func @transform_3(%arg0: i32) -> (i32, i32) {
    %c0_i32 = arith.constant 0 : i32
    %c0_i32_0 = arith.constant 0 : i32
    %c0_i32_1 = arith.constant 0 : i32
    return %c0_i32, %c0_i32_0 : i32, i32
  }
  func.func @transform_4(%arg0: i32) -> (i32, i32) {
    %c0_i32 = arith.constant 0 : i32
    %c0_i32_0 = arith.constant 0 : i32
    %c0_i32_1 = arith.constant 0 : i32
    return %c0_i32, %c0_i32_0 : i32, i32
  }
  func.func @transform_5(%arg0: i32) -> (i32, i32) {
    %c0_i32 = arith.constant 0 : i32
    %c0_i32_0 = arith.constant 0 : i32
    %c0_i32_1 = arith.constant 0 : i32
    return %c0_i32, %c0_i32_0 : i32, i32
  }
  func.func @transform_6(%arg0: i32) -> (i32, i32) {
    %c0_i32 = arith.constant 0 : i32
    %c0_i32_0 = arith.constant 0 : i32
    return %arg0, %c0_i32 : i32, i32
  }
}

</mosaic_0001>

<sc_bundles>
// kernel: kernel.10.cloned.1.call-start
scs
__scs_entry_jumppad:
0x0: {  	(pc) =	sbr.rel $0x88, $3  }
0x1: {  	(tag) =	ssettag $0x0;
	lr =	simm.s32 $0x1  }
0x2: {  	[smem:$0x3F99] =	sst lr;
	_ =	strace $0xD0000000  }
0x3: {  	_ = 	snop  }
0x4: {  	_ = 	snop  }
0x5: {  	_ = 	snop  }
0x6: {  	_ = 	snop  }
0x7: {  	_ = 	snop  }
__scs_overlays_trampoline_lowered:
0x8: {  	[smem:$0x3FA8] =	sst s0  }
0x9: {  	[smem:$0x3FA9] =	sst s1  }
0xa: {  	[smem:$0x3FAA] =	sst s2  }
0xb: {  	[smem:$0x3FAB] =	sst s3  }
0xc: {  	[smem:$0x3FAC] =	sst s4  }
0xd: {  	[smem:$0x3FAD] =	sst s5  }
0xe: {  	[smem:$0x3FAE] =	sst s6  }
0xf: {  	[smem:$0x3FAF] =	sst s7  }
0x10: {  	[smem:$0x3FB0] =	sst s8  }
0x11: {  	[smem:$0x3FB1] =	sst s9;
	s0 =	simm.s32 @!p0 $0x0  }
0x12: {  	s1 =	sld [smem:$0x3F97];
	s0 =	simm.s32 @p0 $0x1  }
0x13: {  	[smem:$0x3FB2] =	sst s0;
	s0 =	simm.s32 @!p1 $0x0  }
0x14: {  	s2 =	sld [smem:$0x3F96];
	s0 =	simm.s32 @p1 $0x1  }
0x15: {  	[smem:$0x3FB3] =	sst s0;
	s0 =	simm.s32 @!p2 $0x0  }
0x16: {  	s3 =	sld [smem:$0x3FDB];
	s0 =	simm.s32 @p2 $0x1  }
0x17: {  	s4 =	simm.s32 $0x1BF5;
	[smem:$0x3FB5] =	sst s0  }
0x18: {  	s0 =	sld [smem:$0x3F98];
	_ =	swait.ge [sflag:s4], $0x0  }
0x19: {  	s7 =	sld [smem:$0x3F99]  }
0x1a: {  	s8 =	sadd.s32 $0xFFFFE003, lr  }
0x1b: {  	s9 =	sadd.s32 $0xFFFFFEF7, lr;
	s5 =	simm.s32 $0xFFFFFFFF;
	p2 =	slt.u32 s8, $0xFFFFF086  }
0x1c: {  	p1 =	slt.u32 s9, $0xF7A;
	s5 =	simm.s32 @!p2 $0x0  }
0x1d: {  	s5 =	simm.s32 @p1 $0x1;
	p0 =	seq.s32 s7, s2  }
0x1e: {  	s7 =	smul.u32 @!p0 $0xF7A, s2;
	p2 =	seq.s32 @!p0 s5, $0x0  }
0x1f: {  	s9 =	smul.u32 $0xF7A, s1;
	s8 =	simm.s32 @!p0 $0x1BF5;
	p2 =	por !p2, p0  }
0x20: {  	[sflag:s8] =	ssyncset.s32 @!p0 $0xFFFFF086;
	s6 =	sadd.s32 @!p0 s3, s7;
	s7 =	simm.s32 @!p0 $0x108  }
0x21: {  	s3 =	sadd.s32 s3, s9;
	s6 =	sadd.s32 @!p0 $0x88, s6;
	s7 =	simm.s32 @p2 $0x1082  }
0x22: {  	[simem:s7], [sflag:s8] =	dma.local @!p0 [hbm:s6], $0xF7A  }
0x23: {  	s9 =	sor.u32 $0xD0000000, s2;
	s6 =	simm.s32 $0x108;
	_ =	swait.ge @!p0 [sflag:s8], $0x0  }
0x24: {  	s3 =	sadd.s32 $0x88, s3;
	s6 =	simm.s32 @!p1 $0x1082;
	[sflag:s4] =	ssyncset.s32 $0xFFFFF086  }
0x25: {  	[simem:s6], [sflag:s4] =	dma.local [hbm:s3], $0xF7A  }
0x26: {  	[smem:$0x3F99] =	sst s1;
	(tag) =	ssettag s2;
	_ =	strace s9  }
0x27: {  	s1 =	sld [smem:$0x3FA9]  }
0x28: {  	s2 =	sld [smem:$0x3FAA]  }
0x29: {  	s4 =	sld [smem:$0x3FAC]  }
0x2a: {  	p0 =	seq.s32 s5, $0x0;
	s5 =	sld [smem:$0x3FAD]  }
0x2b: {  	s6 =	sld [smem:$0x3FAE]  }
0x2c: {  	s7 =	sld [smem:$0x3FAF]  }
0x2d: {  	s3 =	simm.s32 $0x108;
	s8 =	sld [smem:$0x3FB0]  }
0x2e: {  	s3 =	simm.s32 @!p0 $0x1082;
	s9 =	sld [smem:$0x3FB1]  }
0x2f: {  	lr =	sadd.s32 s0, s3;
	s0 =	sld [smem:$0x3FA8]  }
0x30: {  	s3 =	sld [smem:$0x3FAB]  }
0x31: {  	[smem:$0x3FB4] =	sst s10  }
0x32: {  	s10 =	sld [smem:$0x3FB2];
	_ =	sdelay $0x3  }
0x33: {  	p0 =	seq.s32 s10, $0x1;
	s10 =	sld [smem:$0x3FB4];
	_ =	sdelay $0x3  }
0x34: {  	[smem:$0x3FB4] =	sst s10  }
0x35: {  	s10 =	sld [smem:$0x3FB3];
	_ =	sdelay $0x3  }
0x36: {  	p1 =	seq.s32 s10, $0x1;
	s10 =	sld [smem:$0x3FB4];
	_ =	sdelay $0x3  }
0x37: {  	[smem:$0x3FB4] =	sst s10  }
0x38: {  	s10 =	sld [smem:$0x3FB5]  }
0x39: {  	_ = 	snop;
	(pc) =	sbr.ind lr, $3  }
0x3a: {  	_ = 	snop  }
0x3b: {  	_ = 	snop  }
0x3c: {  	p2 =	seq.s32 s10, $0x1;
	s10 =	sld [smem:$0x3FB4]  }
0x3d: {  	_ =	shalt  }
0x3e: {  	_ =	shalt  }
0x3f: {  	_ =	shalt  }
0x40: {  	_ =	shalt  }
0x41: {  	_ =	shalt  }
0x42: {  	_ =	shalt  }
0x43: {  	_ =	shalt  }
0x44: {  	_ =	shalt  }
0x45: {  	_ =	shalt  }
0x46: {  	_ =	shalt  }
0x47: {  	_ =	shalt  }
0x48: {  	_ =	shalt  }
0x49: {  	_ =	shalt  }
0x4a: {  	_ =	shalt  }
0x4b: {  	_ =	shalt  }
0x4c: {  	_ =	shalt  }
0x4d: {  	_ =	shalt  }
0x4e: {  	_ =	shalt  }
0x4f: {  	_ =	shalt  }
0x50: {  	_ =	shalt  }
0x51: {  	_ =	shalt  }
0x52: {  	_ =	shalt  }
0x53: {  	_ =	shalt  }
0x54: {  	_ =	shalt  }
0x55: {  	_ =	shalt  }
0x56: {  	_ =	shalt  }
0x57: {  	_ =	shalt  }
0x58: {  	_ =	shalt  }
0x59: {  	_ =	shalt  }
0x5a: {  	_ =	shalt  }
0x5b: {  	_ =	shalt  }
0x5c: {  	_ =	shalt  }
0x5d: {  	_ =	shalt  }
0x5e: {  	_ =	shalt  }
0x5f: {  	_ =	shalt  }
0x60: {  	_ =	shalt  }
0x61: {  	_ =	shalt  }
0x62: {  	_ =	shalt  }
0x63: {  	_ =	shalt  }
0x64: {  	_ =	shalt  }
0x65: {  	_ =	shalt  }
0x66: {  	_ =	shalt  }
0x67: {  	_ =	shalt  }
0x68: {  	_ =	shalt  }
0x69: {  	_ =	shalt  }
0x6a: {  	_ =	shalt  }
0x6b: {  	_ =	shalt  }
0x6c: {  	_ =	shalt  }
0x6d: {  	_ =	shalt  }
0x6e: {  	_ =	shalt  }
0x6f: {  	_ =	shalt  }
0x70: {  	_ =	shalt  }
0x71: {  	_ =	shalt  }
0x72: {  	_ =	shalt  }
0x73: {  	_ =	shalt  }
0x74: {  	_ =	shalt  }
0x75: {  	_ =	shalt  }
0x76: {  	_ =	shalt  }
0x77: {  	_ =	shalt  }
0x78: {  	_ =	shalt  }
0x79: {  	_ =	shalt  }
0x7a: {  	_ =	shalt  }
0x7b: {  	_ =	shalt  }
0x7c: {  	_ =	shalt  }
0x7d: {  	_ =	shalt  }
0x7e: {  	_ =	shalt  }
0x7f: {  	_ =	shalt  }
0x80: {  	_ =	shalt  }
0x81: {  	_ =	shalt  }
0x82: {  	_ =	shalt  }
0x83: {  	_ =	shalt  }
0x84: {  	_ =	shalt  }
0x85: {  	_ =	shalt  }
0x86: {  	_ =	shalt  }
0x87: {  	_ =	shalt  }
.Lfunc_end0:
.L_simem_size_0:
called_computation.1_lowered:
.L_overlay_start_0:
0x88: {  	s2 =	sld [smem:$0x3FD9]  }
0x89: {  	s3 =	sld [smem:$0x3FFE];
	_ =	sdelay $0x1  }
0x8a: {  	s1 =	srdreg.scid  }
0x8b: {  	s0 =	sand.u32 $0x1, s1  }
0x8c: {  	s17 =	sshll.u32 s0, $0xA;
	s2 =	sadd.s32 s3, s2  }
0x8d: {  	s2 =	sadd.s32 s2, s17  }
0x8e: {  	[smem:$0x3FC0] =	sst s2  }
0x8f: {  	_ = 	snop  }
0x90: {  	s2 =	sld [smem:$0x3FD0];
	(tm) =	ssettm $0x1  }
0x91: {  	s18 =	sld [smem:$0x3FFB];
	_ =	sdelay $0x3  }
0x92: {  	_ =	strace s18  }
0x93: {  	s3 =	sld [smem:$0x3FFC];
	_ =	sdelay $0x3  }
0x94: {  	_ =	strace s3  }
0x95: {  	s3 =	sld [smem:$0x3FFD];
	_ =	sdelay $0x3  }
0x96: {  	_ =	strace s3  }
0x97: {  	_ =	strace $0x8FFFFFFF  }
0x98: {  	s19 =	sld [smem:$0x3FDB];
	_ =	sdelay $0x1  }
0x99: {  	s4 =	simm.s32 $_scs_section_size  }
0x9a: {  	s5 =	simm.s32 $_size__tile_overlayer_lowered;
	s6 =	simm.s32 $_tile_overlayer_lowered  }
0x9b: {  	s22 =	simm.s32 $0x1BFF;
	s21 =	sshll.u32 s6, $0x1;
	s3 =	sadd.s32 s4, s19  }
0x9c: {  	s7 =	simm.s32 $0x0;
	s20 =	sshll.u32 s5, $0x1;
	s5 =	sadd.s32 s21, s3  }
0x9d: {  	[timem:s7], [sflag:s22] =	dma.local [hbm:s5], s20  }
0x9e: {  	_ =	swait.ge [sflag:s22], s20  }
0x9f: {  	s4 =	ssub.s32 $0x0, s20;
	[sflag:s22] =	ssyncset.done $0x0  }
0xa0: {  	[sflag:s22] =	ssyncadd.s32 s4;
	_ =	sdelay $0x1  }
0xa1: {  	s23 =	simm.s32 $0x1B8B  }
0xa2: {  	_ =	swait.ge [sflag:s23], $0x1  }
0xa3: {  	[sflag:s23] =	ssyncset.done $0x0  }
0xa4: {  	s25 =	simm.s32 $0x1B8E;
	s24 =	sld [smem:$0x3FFE];
	[sflag:s23] =	ssyncadd.s32 $0xFFFFFFFF  }
0xa5: {  	s26 =	simm.s32 $execute0_lowered;
	[smem:$0x3FD2] =	sst s25  }
0xa6: {  	s5 =	sshll.u32 s26, $0x1;
	_ =	strace $0x80000049;
	[dreg:$0x1] =	wrdreg $0xFFFFFFFF  }
0xa7: {  	s28 =	simm.s32 $_size_execute0_lowered;
	s3 =	sadd.s32 s3, s5;
	[dreg:$0x0] =	wrdreg $0x0  }
0xa8: {  	s5 =	sshll.u32 s28, $0x1;
	[dreg:$0x2] =	wrdreg s3  }
0xa9: {  	[dreg:$0x3] =	wrdreg s5  }
0xaa: {  	[dreg:$0x4] =	wrdreg $0xC0  }
0xab: {  	_ =	task [dreg:s7], $0x5FFFF  }
0xac: {  	[dreg:$0x1] =	wrdreg $0xFFFFFFFF  }
0xad: {  	[dreg:$0x0] =	wrdreg $0x60  }
0xae: {  	[dreg:$0x2] =	wrdreg s24  }
0xaf: {  	[dreg:$0x3] =	wrdreg s2  }
0xb0: {  	[dreg:$0x4] =	wrdreg $0x0  }
0xb1: {  	[dreg:$0x5] =	wrdreg $0xA0000  }
0xb2: {  	[dreg:$0x6] =	wrdreg $0x9  }
0xb3: {  	_ =	task.clear_ibuf [dreg:s7], $0x7FFFF;
	_ =	strace $0x90000049  }
0xb4: {  	s29 =	simm.s32 $0x9;
	_ =	strace $0x8000004B  }
0xb5: {  	_ =	swait.ge [sflag:s29], $0x1  }
0xb6: {  	[sflag:s29] =	ssyncadd.s32 $0xFFFFFFFF  }
0xb7: {  	_ =	strace $0x9000004B  }
0xb8: {  	_ =	sfence  }
0xb9: {  	s30 =	sld [smem:$0x0];
	_ =	sdelay $0x2  }
0xba: {  	s31 =	sshll.u32 s1, $0xD;
	s1 =	sshrl.u32 s1, $0x2  }
0xbb: {  	s3 =	sand.u32 $0x4000, s31;
	s1 =	sadd.s32 s1, s30  }
0xbc: {  	s0 =	sor.u32 s3, s0;
	s1 =	sshll.u32 s1, $0x11  }
0xbd: {  	s0 =	sor.u32 s1, s0  }
0xbe: {  	s0 =	sadd.s32 $0x8F2B, s0  }
0xbf: {  	[sflag:s0] =	ssyncadd.remote.s32 $0x1  }
0xc0: {  	_ =	sfence.sel $0xFFFF  }
0xc1: {  	[dreg:$0x0] =	wrdreg $0xFFFFFFFF;
	(pc) =	sbr.abs _section_cstart, $3  }
0xc2: {  	[dreg:$0x1] =	wrdreg $0xFFFFFFFF  }
0xc3: {  	_ =	task.clear_ibuf [dreg:s7], $0x2FFFF;
	_ =	strace $0x9FFFFFFF  }
0xc4: {  	(tm) =	ssettm $0x7FFFFFFF  }
0xc5: {  	_ =	shalt  }
tec
execute0_lowered:
.L_overlay_start_1:
0x0: {  	(tag) =	ssettag $0x1  }
0x1: {  	s0 =	rddreg [dreg:$0x0]  }
0x2: {  	s3 =	rddreg [dreg:$0x2]  }
0x3: {  	s1 =	srdreg.scid;
	s9 =	stileid.u32  }
0x4: {  	s4 =	rddreg [dreg:$0x3];
	s6 =	simm.s32 $0x0;
	s18 =	simm.s32 $0x9  }
0x5: {  	s19 =	simm.s32 $0x16000;
	s20 =	simm.s32 $0x14000;
	s21 =	simm.s32 $0x15000  }
0x6: {  	s22 =	simm.s32 $0x80;
	s29 =	simm.s32 $0x1A000;
	s30 =	simm.s32 $0x2  }
0x7: {  	s11 =	simm.s32 $0x5;
	s12 =	simm.s32 $0x14200;
	s13 =	simm.s32 $0x4  }
0x8: {  	s1 =	sand.u32 $0x1, s1;
	s2 =	smul.u32 $0xA000, s9;
	[smem:$0x7FF] =	sst s6  }
0x9: {  	s8 =	smul.u32 $0x28000, s9;
	s6 =	sadd.s32 $0x29400, s0;
	s15 =	sshll.u32 s9, $0x6  }
0xa: {  	s5 =	smul.u32 $0xA0000, s1;
	_ =	strace $0x8000004A;
	s1 =	ssub.s32 $0x2, s1  }
0xb: {  	s31 =	sor.u32 $0x1C09, s15;
	s15 =	simm.s32 $0x6;
	s7 =	sshrl.u32 s1, $0x1  }
0xc: {  	s14 =	sadd.s32 s2, s3;
	s8 =	sshrl.u32 s8, $0x2;
	s17 =	sadd.s32 s2, s4  }
0xd: {  	[dreg:$0x6] =	wrdreg s31;
	s5 =	sadd.s32 s2, s5;
	s16 =	sadd.s32 s8, s4  }
0xe: {  	s1 =	ssub.s32 s1, s7;
	s28 =	sshrl.u32 s14, $0x3;
	[dreg:$0x7] =	wrdreg s16  }
0xf: {  	s2 =	simm.s32 $0x14180;
	s1 =	smax.u32 s1, $0x1;
	[dreg:$0xe] =	wrdreg s28  }
0x10: {  	s7 =	simm.s32 $0x15100;
	s23 =	sadd.s32 $0x2000, s16;
	[dreg:$0x9] =	wrdreg s1  }
0x11: {  	s14 =	simm.s32 $0x15180;
	s24 =	sadd.s32 $0x4000, s16;
	[dreg:$0xa] =	wrdreg s23  }
0x12: {  	s8 =	simm.s32 $0x0;
	s25 =	sadd.s32 $0x6000, s16;
	[dreg:$0xb] =	wrdreg s24  }
0x13: {  	s5 =	sshrl.u32 s5, $0x3;
	s26 =	sadd.s32 $0x8000, s16;
	[dreg:$0xc] =	wrdreg s25  }
0x14: {  	s16 =	simm.s32 $0x14280;
	s0 =	sadd.s32 s5, s0;
	[dreg:$0xd] =	wrdreg s26  }
.Ltmp0:
0x15: {  	s24 =	simm.s32 $0x18000;
	s26 =	simm.s32 $0x1;
	(pc) =	sbr.rel .LBB2_1-.Ltmp0, $4  }
0x16: {  	s5 =	simm.s32 $0x3;
	s25 =	simm.s32 $0x8;
	s10 =	sadd.s32 $0x1400, s0  }
0x17: {  	s0 =	sadd.s32 $0x33400, s0;
	[dreg:$0x5] =	wrdreg s10;
	s10 =	smul.u32 $0x5000, s9  }
0x18: {  	[dreg:$0x8] =	wrdreg s0;
	s0 =	sshrl.u32 s17, $0x3;
	s17 =	simm.s32 $0x7  }
0x19: {  	v0 =	vimm.f32 $0.0e+00;
	s9 =	simm.s32 $0x15F80;
	[dreg:$0xf] =	wrdreg s0;
	s0 =	simm.s32 $0x1C000  }
.LBB2_8:
0x1a: {  	[bflag:$0x0] =	sbarrier.arrive $0xFFFF  }
0x1b: {  	s31 =	rddreg [dreg:$0x6]  }
0x1c: {  	s1 =	rddreg [dreg:$0x8]  }
0x1d: {  	s8 =	rddreg [dreg:$0xf]  }
0x1e: {  	[hbm:s1], [sflag:s31] =	dma.local [spmem:s8], $0x1400  }
0x1f: {  	_ =	swait.ge [sflag:s18], $0x1400  }
0x20: {  	s23 =	rddreg [dreg:$0x10]  }
0x21: {  	s28 =	rddreg [dreg:$0x9];
	s8 =	sadd.s32 $0x1, s23  }
0x22: {  	p0 =	sne.s32 s8, s28  }
.Ltmp1:
0x23: {  	_ = 	snop;
	(pc) =	sbr.rel @!p0 .LBB2_9-.Ltmp1, $3  }
0x24: {  	_ =	sdelay $0x1  }
0x25: {  	[sflag:s18] =	ssyncset.done $0x0  }
0x26: {  	[sflag:s18] =	ssyncadd.s32 $0xFFFFEC00  }
.LBB2_1:
0x27: {  	s28 =	simm.s32 $0x0  }
0x28: {  	s1 =	sand.u32 $0x7F00, s28  }
0x29: {  	[dreg:$0x10] =	wrdreg s8;
	s8 =	sand.u32 $0x30, s28;
	s23 =	sshrl.u32 s1, $0x2  }
0x2a: {  	s1 =	simm.s32 $0x40;
	s23 =	sor.u32 s8, s23;
	s8 =	simm.s32 $0x0  }
.LBB2_2:
0x2b: {  	p0 =	sne.s32 s1, $0x7FC0  }
0x2c: {  	[tilespmem:s23+$0x16000] =	vst v0;
	s8 =	sadd.s32 $0x10, s8;
	s23 =	smov.u32 s1;
	s1 =	sadd.s32 $0x40, s1  }
.Ltmp2:
0x2d: {  	(pc) =	sbr.rel @p0 .LBB2_2-.Ltmp2, $4  }
0x2e: {  	_ = 	snop  }
0x2f: {  	s23 =	sand.u32 $0x7F00, s23  }
0x30: {  	s28 =	sand.u32 $0x30, s8;
	s23 =	sshrl.u32 s23, $0x2  }
0x31: {  	s23 =	sor.u32 s28, s23  }
0x32: {  	s1 =	rddreg [dreg:$0x5]  }
0x33: {  	[tilespmem:s23+$0x16000] =	vst v0;
	s8 =	rddreg [dreg:$0xe]  }
0x34: {  	[spmem:s8], [sflag:s31] =	dma.local [hbm:s1], $0x1400  }
0x35: {  	_ =	swait.ge [sflag:s18], $0x1400  }
0x36: {  	[sflag:s18] =	ssyncset.done $0x0  }
0x37: {  	s31 =	rddreg [dreg:$0x7];
	[sflag:s18] =	ssyncadd.s32 $0xFFFFEC00  }
0x38: {  	[spmem:s31] =	stream.linear.scatter [tilespmem:s19], [sflag:$0x9], $0x2000, $0x38;
	[tilespmem:$0x1E000] =	vst v63  }
0x39: {  	_ =	swait.ge [sflag:s18], $0x2000  }
0x3a: {  	[sflag:s18] =	ssyncset.done $0x0  }
0x3b: {  	s8 =	rddreg [dreg:$0xa];
	[sflag:s18] =	ssyncadd.s32 $0xFFFFE000  }
0x3c: {  	[spmem:s8] =	stream.linear.scatter [tilespmem:s19], [sflag:$0x9], $0x2000, $0x38;
	[tilespmem:$0x1E000] =	vst v63  }
0x3d: {  	_ =	swait.ge [sflag:s18], $0x2000  }
0x3e: {  	[sflag:s18] =	ssyncset.done $0x0  }
0x3f: {  	s23 =	rddreg [dreg:$0xb];
	[sflag:s18] =	ssyncadd.s32 $0xFFFFE000  }
0x40: {  	[spmem:s23] =	stream.linear.scatter [tilespmem:s19], [sflag:$0x9], $0x2000, $0x38;
	[tilespmem:$0x1E000] =	vst v63  }
0x41: {  	_ =	swait.ge [sflag:s18], $0x2000  }
0x42: {  	[sflag:s18] =	ssyncset.done $0x0  }
0x43: {  	s28 =	rddreg [dreg:$0xc];
	[sflag:s18] =	ssyncadd.s32 $0xFFFFE000  }
0x44: {  	[spmem:s28] =	stream.linear.scatter [tilespmem:s19], [sflag:$0x9], $0x2000, $0x38;
	[tilespmem:$0x1E000] =	vst v63  }
0x45: {  	_ =	swait.ge [sflag:s18], $0x2000  }
0x46: {  	[sflag:s18] =	ssyncset.done $0x0  }
0x47: {  	s31 =	rddreg [dreg:$0xd];
	[sflag:s18] =	ssyncadd.s32 $0xFFFFE000  }
0x48: {  	[spmem:s31] =	stream.linear.scatter [tilespmem:s19], [sflag:$0x9], $0x2000, $0x38;
	[tilespmem:$0x1E000] =	vst v63  }
.Ltmp3:
0x49: {  	_ =	swait.ge [sflag:s18], $0x2000;
	(pc) =	sbr.rel .LBB2_4-.Ltmp3, $4  }
0x4a: {  	[sflag:s18] =	ssyncset.done $0x0  }
0x4b: {  	[sflag:s18] =	ssyncadd.s32 $0xFFFFE000  }
0x4c: {  	[bflag:$0x0] =	sbarrier.arrive $0xFFFF  }
0x4d: {  	s1 =	simm.s32 $0x0;
	s8 =	simm.s32 $0x0  }
.LBB2_7:
0x4e: {  	_ =	swait.ge [sflag:s13], $0x2000  }
0x4f: {  	[sflag:s13] =	ssyncset.done $0x0  }
0x50: {  	[sflag:s13] =	ssyncadd.s32 $0xFFFFE000  }
0x51: {  	[spmem:s4] =	stream.indirect.scatter.add.f32 [tilespmem:s0], [sflag:$0x8], $0x40, s9, s22, $0xb8;
	[tilespmem:$0x1E000] =	vst v63  }
0x52: {  	_ =	swait.ge [sflag:s11], $0x2000  }
0x53: {  	[sflag:s11] =	ssyncset.done $0x0  }
0x54: {  	[sflag:s11] =	ssyncadd.s32 $0xFFFFE000  }
0x55: {  	_ =	swait.ge [sflag:s15], $0x2000  }
0x56: {  	[sflag:s15] =	ssyncset.done $0x0  }
0x57: {  	s1 =	sadd.s32 $0x1, s1;
	[sflag:s15] =	ssyncadd.s32 $0xFFFFE000  }
0x58: {  	p0 =	sne.s32 s1, $0x5;
	_ =	swait.ge [sflag:s17], $0x2000  }
.Ltmp4:
0x59: {  	[sflag:s17] =	ssyncset.done $0x0;
	(pc) =	sbr.rel @!p0 .LBB2_8-.Ltmp4, $4  }
0x5a: {  	[sflag:s17] =	ssyncadd.s32 $0xFFFFE000  }
0x5b: {  	_ =	swait.ge [sflag:s25], $0x2000  }
0x5c: {  	[sflag:s25] =	ssyncset.done $0x0  }
0x5d: {  	[sflag:s25] =	ssyncadd.s32 $0xFFFFE000  }
.LBB2_4:
0x5e: {  	s23 =	sshll.u32 s1, $0xC  }
0x5f: {  	s23 =	sadd.s32 s10, s23  }
0x60: {  	s28 =	rddreg [dreg:$0x1];
	s23 =	sshrl.u32 s23, $0x3  }
0x61: {  	s28 =	sadd.s32 s28, s23  }
0x62: {  	[tilespmem:s20], [sflag:$0x9] =	stream.linear.gather [hbm4b:s28+s8], $0x1000, $0x38;
	[tilespmem:$0x1E000] =	vst v63  }
0x63: {  	_ =	swait.ge [sflag:s18], $0x1000  }
0x64: {  	[sflag:s18] =	ssyncset.done $0x0  }
0x65: {  	s23 =	sadd.s32 s6, s23;
	[sflag:s18] =	ssyncadd.s32 $0xFFFFF000  }
0x66: {  	[tilespmem:s21], [sflag:$0x9] =	stream.linear.gather [hbm4b:s23+s8], $0x1000, $0x38;
	[tilespmem:$0x1E000] =	vst v63  }
0x67: {  	_ =	swait.ge [sflag:s18], $0x1000  }
0x68: {  	[sflag:s18] =	ssyncset.done $0x0  }
0x69: {  	[sflag:s18] =	ssyncadd.s32 $0xFFFFF000  }
0x6a: {  	[tilespmem:s19], [sflag:$0x1] =	stream.indirect.gather [spmem:s3], $0x40, s20, s22, $0xb8;
	[tilespmem:$0x1E000] =	vst v63  }
0x6b: {  	s31 =	simm.s32 $0x14080  }
0x6c: {  	[tilespmem:s24], [sflag:$0x2] =	stream.indirect.gather [spmem:s3], $0x40, s31, s22, $0xb8;
	[tilespmem:$0x1E000] =	vst v63  }
0x6d: {  	_ =	swait.ge [sflag:s26], $0x2000  }
0x6e: {  	[sflag:s26] =	ssyncset.done $0x0  }
0x6f: {  	[sflag:s26] =	ssyncadd.s32 $0xFFFFE000  }
0x70: {  	[spmem:s4] =	stream.indirect.scatter.add.f32 [tilespmem:s19], [sflag:$0x5], $0x40, s21, s22, $0xb8;
	[tilespmem:$0x1E000] =	vst v63  }
0x71: {  	s28 =	simm.s32 $0x14100  }
0x72: {  	[tilespmem:s29], [sflag:$0x3] =	stream.indirect.gather [spmem:s3], $0x40, s28, s22, $0xb8;
	[tilespmem:$0x1E000] =	vst v63  }
0x73: {  	_ =	swait.ge [sflag:s30], $0x2000  }
0x74: {  	[sflag:s30] =	ssyncset.done $0x0  }
0x75: {  	s31 =	simm.s32 $0x15080;
	[sflag:s30] =	ssyncadd.s32 $0xFFFFE000  }
0x76: {  	[spmem:s4] =	stream.indirect.scatter.add.f32 [tilespmem:s24], [sflag:$0x6], $0x40, s31, s22, $0xb8;
	[tilespmem:$0x1E000] =	vst v63  }
0x77: {  	_ = 	snop  }
0x78: {  	[tilespmem:s0], [sflag:$0x4] =	stream.indirect.gather [spmem:s3], $0x40, s2, s22, $0xb8;
	[tilespmem:$0x1E000] =	vst v63  }
0x79: {  	_ =	swait.ge [sflag:s5], $0x2000  }
0x7a: {  	[sflag:s5] =	ssyncset.done $0x0  }
0x7b: {  	[sflag:s5] =	ssyncadd.s32 $0xFFFFE000  }
0x7c: {  	[spmem:s4] =	stream.indirect.scatter.add.f32 [tilespmem:s29], [sflag:$0x7], $0x40, s7, s22, $0xb8;
	[tilespmem:$0x1E000] =	vst v63  }
0x7d: {  	_ =	swait.ge [sflag:s11], $0x2000  }
0x7e: {  	[sflag:s11] =	ssyncset.done $0x0  }
0x7f: {  	[sflag:s11] =	ssyncadd.s32 $0xFFFFE000  }
0x80: {  	[tilespmem:s19], [sflag:$0x1] =	stream.indirect.gather [spmem:s3], $0x40, s12, s22, $0xb8;
	[tilespmem:$0x1E000] =	vst v63  }
0x81: {  	_ =	swait.ge [sflag:s13], $0x2000  }
0x82: {  	[sflag:s13] =	ssyncset.done $0x0  }
0x83: {  	[sflag:s13] =	ssyncadd.s32 $0xFFFFE000  }
0x84: {  	[spmem:s4] =	stream.indirect.scatter.add.f32 [tilespmem:s0], [sflag:$0x8], $0x40, s14, s22, $0xb8;
	[tilespmem:$0x1E000] =	vst v63  }
0x85: {  	_ =	swait.ge [sflag:s15], $0x2000  }
0x86: {  	[sflag:s15] =	ssyncset.done $0x0  }
0x87: {  	s23 =	simm.s32 $0x0;
	[sflag:s15] =	ssyncadd.s32 $0xFFFFE000  }
0x88: {  	[tilespmem:s24], [sflag:$0x2] =	stream.indirect.gather [spmem:s3], $0x40, s16, s22, $0xb8;
	[tilespmem:$0x1E000] =	vst v63  }
.LBB2_5:
0x89: {  	_ =	swait.ge [sflag:s26], $0x2000  }
0x8a: {  	s28 =	sshra.s32 s23, $0x2;
	[sflag:s26] =	ssyncset.done $0x0  }
0x8b: {  	s31 =	sadd.s32 $0x15200, s28;
	[sflag:s26] =	ssyncadd.s32 $0xFFFFE000  }
0x8c: {  	[spmem:s4] =	stream.indirect.scatter.add.f32 [tilespmem:s19], [sflag:$0x5], $0x40, s31, s22, $0xb8;
	[tilespmem:$0x1E000] =	vst v63  }
0x8d: {  	_ =	swait.ge [sflag:s17], $0x2000  }
0x8e: {  	[sflag:s17] =	ssyncset.done $0x0  }
0x8f: {  	s31 =	sadd.s32 $0x14300, s28;
	[sflag:s17] =	ssyncadd.s32 $0xFFFFE000  }
0x90: {  	[tilespmem:s29], [sflag:$0x3] =	stream.indirect.gather [spmem:s3], $0x40, s31, s22, $0xb8;
	[tilespmem:$0x1E000] =	vst v63  }
0x91: {  	_ =	swait.ge [sflag:s30], $0x2000  }
0x92: {  	[sflag:s30] =	ssyncset.done $0x0  }
0x93: {  	s31 =	sadd.s32 $0x15280, s28;
	[sflag:s30] =	ssyncadd.s32 $0xFFFFE000  }
0x94: {  	[spmem:s4] =	stream.indirect.scatter.add.f32 [tilespmem:s24], [sflag:$0x6], $0x40, s31, s22, $0xb8;
	[tilespmem:$0x1E000] =	vst v63  }
0x95: {  	_ =	swait.ge [sflag:s25], $0x2000  }
0x96: {  	[sflag:s25] =	ssyncset.done $0x0  }
0x97: {  	p0 =	seq.s32 s23, $0x3000;
	s31 =	sadd.s32 $0x14380, s28;
	[sflag:s25] =	ssyncadd.s32 $0xFFFFE000  }
0x98: {  	[tilespmem:s0], [sflag:$0x4] =	stream.indirect.gather [spmem:s3], $0x40, s31, s22, $0xb8;
	[tilespmem:$0x1E000] =	vst v63  }
.Ltmp5:
0x99: {  	_ = 	snop;
	(pc) =	sbr.rel @p0 .LBB2_7-.Ltmp5, $4  }
0x9a: {  	_ =	swait.ge [sflag:s5], $0x2000  }
0x9b: {  	[sflag:s5] =	ssyncset.done $0x0  }
0x9c: {  	s31 =	sadd.s32 $0x15300, s28;
	[sflag:s5] =	ssyncadd.s32 $0xFFFFE000  }
0x9d: {  	[spmem:s4] =	stream.indirect.scatter.add.f32 [tilespmem:s29], [sflag:$0x7], $0x40, s31, s22, $0xb8;
	[tilespmem:$0x1E000] =	vst v63  }
0x9e: {  	_ =	swait.ge [sflag:s11], $0x2000  }
0x9f: {  	[sflag:s11] =	ssyncset.done $0x0  }
0xa0: {  	s31 =	sadd.s32 $0x14400, s28;
	[sflag:s11] =	ssyncadd.s32 $0xFFFFE000  }
0xa1: {  	[tilespmem:s19], [sflag:$0x1] =	stream.indirect.gather [spmem:s3], $0x40, s31, s22, $0xb8;
	[tilespmem:$0x1E000] =	vst v63  }
0xa2: {  	_ =	swait.ge [sflag:s13], $0x2000  }
0xa3: {  	[sflag:s13] =	ssyncset.done $0x0  }
0xa4: {  	s31 =	sadd.s32 $0x15380, s28;
	[sflag:s13] =	ssyncadd.s32 $0xFFFFE000  }
0xa5: {  	[spmem:s4] =	stream.indirect.scatter.add.f32 [tilespmem:s0], [sflag:$0x8], $0x40, s31, s22, $0xb8;
	[tilespmem:$0x1E000] =	vst v63  }
.Ltmp6:
0xa6: {  	_ = 	snop;
	(pc) =	sbr.rel .LBB2_5-.Ltmp6, $4  }
0xa7: {  	_ =	swait.ge [sflag:s15], $0x2000  }
0xa8: {  	[sflag:s15] =	ssyncset.done $0x0  }
0xa9: {  	s23 =	sadd.s32 $0x800, s23;
	s31 =	sadd.s32 $0x14480, s28;
	[sflag:s15] =	ssyncadd.s32 $0xFFFFE000  }
0xaa: {  	[tilespmem:s24], [sflag:$0x2] =	stream.indirect.gather [spmem:s3], $0x40, s31, s22, $0xb8;
	[tilespmem:$0x1E000] =	vst v63  }
.LBB2_9:
0xab: {  	_ =	sfence.sel $0x180000  }
0xac: {  	[bflag:$0x0] =	sbarrier.arrive $0xFFFF  }
0xad: {  	_ =	strace $0x9000004A  }
0xae: {  	s0 =	stileid.u32;
	[bflag:$0x2] =	sbarrier.arrive $0xFFFF  }
0xaf: {  	p0 =	sne.s32 s0, $0x0;
	s0 =	rddreg [dreg:$0x4]  }
0xb0: {  	s0 =	sadd.s32 @!p0 $0x100000, s0  }
0xb1: {  	[sflag:s0] =	ssyncadd.tile.s32 @!p0 $0x1;
	_ =	shalt  }
.Lfunc_end2:
_tile_overlayer_lowered:
.L_overlay_start_2:
0xb2: {  	(tag) =	ssettag $0x2  }
0xb3: {  	s0 =	rddreg [dreg:$0x0];
	s2 =	stileid.u32  }
0xb4: {  	s1 =	rddreg [dreg:$0x1];
	p0 =	sne.s32 s2, $0x0  }
0xb5: {  	s3 =	rddreg [dreg:$0x2];
	[bflag:$0x3] =	sbarrier.arrive $0xFFFF;
	s2 =	simm.s32 @!p0 $0x1C09  }
0xb6: {  	[timem:s3], [sflag:s2] =	dma.local @!p0 [hbm:s0], s1  }
0xb7: {  	s0 =	simm.s32 @!p0 $0x9  }
0xb8: {  	_ =	swait.ge @!p0 [sflag:s0], s1  }
0xb9: {  	s1 =	ssub.s32 @!p0 $0x0, s1;
	[sflag:s0] =	ssyncset.done @!p0 $0x0  }
0xba: {  	[sflag:s0] =	ssyncadd.s32 @!p0 s1  }
0xbb: {  	[bflag:$0x3] =	sbarrier.arrive $0xFFFF  }
0xbc: {  	_ =	shalt  }

// kernel: kernel.7.cloned.1.call-start
scs
__scs_entry_jumppad:
0x0: {  	(pc) =	sbr.rel $0x88, $3  }
0x1: {  	(tag) =	ssettag $0x0;
	lr =	simm.s32 $0x1  }
0x2: {  	[smem:$0x3F99] =	sst lr;
	_ =	strace $0xD0000000  }
0x3: {  	_ = 	snop  }
0x4: {  	_ = 	snop  }
0x5: {  	_ = 	snop  }
0x6: {  	_ = 	snop  }
0x7: {  	_ = 	snop  }
__scs_overlays_trampoline_lowered:
0x8: {  	[smem:$0x3FA8] =	sst s0  }
0x9: {  	[smem:$0x3FA9] =	sst s1  }
0xa: {  	[smem:$0x3FAA] =	sst s2  }
0xb: {  	[smem:$0x3FAB] =	sst s3  }
0xc: {  	[smem:$0x3FAC] =	sst s4  }
0xd: {  	[smem:$0x3FAD] =	sst s5  }
0xe: {  	[smem:$0x3FAE] =	sst s6  }
0xf: {  	[smem:$0x3FAF] =	sst s7  }
0x10: {  	[smem:$0x3FB0] =	sst s8  }
0x11: {  	[smem:$0x3FB1] =	sst s9;
	s0 =	simm.s32 @!p0 $0x0  }
0x12: {  	s1 =	sld [smem:$0x3F97];
	s0 =	simm.s32 @p0 $0x1  }
0x13: {  	[smem:$0x3FB2] =	sst s0;
	s0 =	simm.s32 @!p1 $0x0  }
0x14: {  	s2 =	sld [smem:$0x3F96];
	s0 =	simm.s32 @p1 $0x1  }
0x15: {  	[smem:$0x3FB3] =	sst s0;
	s0 =	simm.s32 @!p2 $0x0  }
0x16: {  	s3 =	sld [smem:$0x3FDB];
	s0 =	simm.s32 @p2 $0x1  }
0x17: {  	s4 =	simm.s32 $0x1BF5;
	[smem:$0x3FB5] =	sst s0  }
0x18: {  	s0 =	sld [smem:$0x3F98];
	_ =	swait.ge [sflag:s4], $0x0  }
0x19: {  	s7 =	sld [smem:$0x3F99]  }
0x1a: {  	s8 =	sadd.s32 $0xFFFFE003, lr  }
0x1b: {  	s9 =	sadd.s32 $0xFFFFFEF7, lr;
	s5 =	simm.s32 $0xFFFFFFFF;
	p2 =	slt.u32 s8, $0xFFFFF086  }
0x1c: {  	p1 =	slt.u32 s9, $0xF7A;
	s5 =	simm.s32 @!p2 $0x0  }
0x1d: {  	s5 =	simm.s32 @p1 $0x1;
	p0 =	seq.s32 s7, s2  }
0x1e: {  	s7 =	smul.u32 @!p0 $0xF7A, s2;
	p2 =	seq.s32 @!p0 s5, $0x0  }
0x1f: {  	s9 =	smul.u32 $0xF7A, s1;
	s8 =	simm.s32 @!p0 $0x1BF5;
	p2 =	por !p2, p0  }
0x20: {  	[sflag:s8] =	ssyncset.s32 @!p0 $0xFFFFF086;
	s6 =	sadd.s32 @!p0 s3, s7;
	s7 =	simm.s32 @!p0 $0x108  }
0x21: {  	s3 =	sadd.s32 s3, s9;
	s6 =	sadd.s32 @!p0 $0x88, s6;
	s7 =	simm.s32 @p2 $0x1082  }
0x22: {  	[simem:s7], [sflag:s8] =	dma.local @!p0 [hbm:s6], $0xF7A  }
0x23: {  	s9 =	sor.u32 $0xD0000000, s2;
	s6 =	simm.s32 $0x108;
	_ =	swait.ge @!p0 [sflag:s8], $0x0  }
0x24: {  	s3 =	sadd.s32 $0x88, s3;
	s6 =	simm.s32 @!p1 $0x1082;
	[sflag:s4] =	ssyncset.s32 $0xFFFFF086  }
0x25: {  	[simem:s6], [sflag:s4] =	dma.local [hbm:s3], $0xF7A  }
0x26: {  	[smem:$0x3F99] =	sst s1;
	(tag) =	ssettag s2;
	_ =	strace s9  }
0x27: {  	s1 =	sld [smem:$0x3FA9]  }
0x28: {  	s2 =	sld [smem:$0x3FAA]  }
0x29: {  	s4 =	sld [smem:$0x3FAC]  }
0x2a: {  	p0 =	seq.s32 s5, $0x0;
	s5 =	sld [smem:$0x3FAD]  }
0x2b: {  	s6 =	sld [smem:$0x3FAE]  }
0x2c: {  	s7 =	sld [smem:$0x3FAF]  }
0x2d: {  	s3 =	simm.s32 $0x108;
	s8 =	sld [smem:$0x3FB0]  }
0x2e: {  	s3 =	simm.s32 @!p0 $0x1082;
	s9 =	sld [smem:$0x3FB1]  }
0x2f: {  	lr =	sadd.s32 s0, s3;
	s0 =	sld [smem:$0x3FA8]  }
0x30: {  	s3 =	sld [smem:$0x3FAB]  }
0x31: {  	[smem:$0x3FB4] =	sst s10  }
0x32: {  	s10 =	sld [smem:$0x3FB2];
	_ =	sdelay $0x3  }
0x33: {  	p0 =	seq.s32 s10, $0x1;
	s10 =	sld [smem:$0x3FB4];
	_ =	sdelay $0x3  }
0x34: {  	[smem:$0x3FB4] =	sst s10  }
0x35: {  	s10 =	sld [smem:$0x3FB3];
	_ =	sdelay $0x3  }
0x36: {  	p1 =	seq.s32 s10, $0x1;
	s10 =	sld [smem:$0x3FB4];
	_ =	sdelay $0x3  }
0x37: {  	[smem:$0x3FB4] =	sst s10  }
0x38: {  	s10 =	sld [smem:$0x3FB5]  }
0x39: {  	_ = 	snop;
	(pc) =	sbr.ind lr, $3  }
0x3a: {  	_ = 	snop  }
0x3b: {  	_ = 	snop  }
0x3c: {  	p2 =	seq.s32 s10, $0x1;
	s10 =	sld [smem:$0x3FB4]  }
0x3d: {  	_ =	shalt  }
0x3e: {  	_ =	shalt  }
0x3f: {  	_ =	shalt  }
0x40: {  	_ =	shalt  }
0x41: {  	_ =	shalt  }
0x42: {  	_ =	shalt  }
0x43: {  	_ =	shalt  }
0x44: {  	_ =	shalt  }
0x45: {  	_ =	shalt  }
0x46: {  	_ =	shalt  }
0x47: {  	_ =	shalt  }
0x48: {  	_ =	shalt  }
0x49: {  	_ =	shalt  }
0x4a: {  	_ =	shalt  }
0x4b: {  	_ =	shalt  }
0x4c: {  	_ =	shalt  }
0x4d: {  	_ =	shalt  }
0x4e: {  	_ =	shalt  }
0x4f: {  	_ =	shalt  }
0x50: {  	_ =	shalt  }
0x51: {  	_ =	shalt  }
0x52: {  	_ =	shalt  }
0x53: {  	_ =	shalt  }
0x54: {  	_ =	shalt  }
0x55: {  	_ =	shalt  }
0x56: {  	_ =	shalt  }
0x57: {  	_ =	shalt  }
0x58: {  	_ =	shalt  }
0x59: {  	_ =	shalt  }
0x5a: {  	_ =	shalt  }
0x5b: {  	_ =	shalt  }
0x5c: {  	_ =	shalt  }
0x5d: {  	_ =	shalt  }
0x5e: {  	_ =	shalt  }
0x5f: {  	_ =	shalt  }
0x60: {  	_ =	shalt  }
0x61: {  	_ =	shalt  }
0x62: {  	_ =	shalt  }
0x63: {  	_ =	shalt  }
0x64: {  	_ =	shalt  }
0x65: {  	_ =	shalt  }
0x66: {  	_ =	shalt  }
0x67: {  	_ =	shalt  }
0x68: {  	_ =	shalt  }
0x69: {  	_ =	shalt  }
0x6a: {  	_ =	shalt  }
0x6b: {  	_ =	shalt  }
0x6c: {  	_ =	shalt  }
0x6d: {  	_ =	shalt  }
0x6e: {  	_ =	shalt  }
0x6f: {  	_ =	shalt  }
0x70: {  	_ =	shalt  }
0x71: {  	_ =	shalt  }
0x72: {  	_ =	shalt  }
0x73: {  	_ =	shalt  }
0x74: {  	_ =	shalt  }
0x75: {  	_ =	shalt  }
0x76: {  	_ =	shalt  }
0x77: {  	_ =	shalt  }
0x78: {  	_ =	shalt  }
0x79: {  	_ =	shalt  }
0x7a: {  	_ =	shalt  }
0x7b: {  	_ =	shalt  }
0x7c: {  	_ =	shalt  }
0x7d: {  	_ =	shalt  }
0x7e: {  	_ =	shalt  }
0x7f: {  	_ =	shalt  }
0x80: {  	_ =	shalt  }
0x81: {  	_ =	shalt  }
0x82: {  	_ =	shalt  }
0x83: {  	_ =	shalt  }
0x84: {  	_ =	shalt  }
0x85: {  	_ =	shalt  }
0x86: {  	_ =	shalt  }
0x87: {  	_ =	shalt  }
.Lfunc_end0:
.L_simem_size_0:
called_computation_lowered:
.L_overlay_start_0:
0x88: {  	s2 =	sld [smem:$0x3FD9]  }
0x89: {  	s3 =	sld [smem:$0x3FFE];
	_ =	sdelay $0x1  }
0x8a: {  	s1 =	srdreg.scid  }
0x8b: {  	s0 =	sand.u32 $0x1, s1  }
0x8c: {  	s17 =	sshll.u32 s0, $0xA;
	s2 =	sadd.s32 s3, s2  }
0x8d: {  	s2 =	sadd.s32 s2, s17  }
0x8e: {  	[smem:$0x3FC0] =	sst s2  }
0x8f: {  	_ = 	snop  }
0x90: {  	s2 =	sld [smem:$0x3FD0];
	(tm) =	ssettm $0x1  }
0x91: {  	s18 =	sld [smem:$0x3FFB];
	_ =	sdelay $0x3  }
0x92: {  	_ =	strace s18  }
0x93: {  	s3 =	sld [smem:$0x3FFC];
	_ =	sdelay $0x3  }
0x94: {  	_ =	strace s3  }
0x95: {  	s3 =	sld [smem:$0x3FFD];
	_ =	sdelay $0x3  }
0x96: {  	_ =	strace s3  }
0x97: {  	_ =	strace $0x8FFFFFFF  }
0x98: {  	s19 =	sld [smem:$0x3FDB];
	_ =	sdelay $0x1  }
0x99: {  	s4 =	simm.s32 $_scs_section_size  }
0x9a: {  	s5 =	simm.s32 $_size__tile_overlayer_lowered;
	s6 =	simm.s32 $_tile_overlayer_lowered  }
0x9b: {  	s22 =	simm.s32 $0x1BFF;
	s21 =	sshll.u32 s6, $0x1;
	s3 =	sadd.s32 s4, s19  }
0x9c: {  	s7 =	simm.s32 $0x0;
	s20 =	sshll.u32 s5, $0x1;
	s5 =	sadd.s32 s21, s3  }
0x9d: {  	[timem:s7], [sflag:s22] =	dma.local [hbm:s5], s20  }
0x9e: {  	_ =	swait.ge [sflag:s22], s20  }
0x9f: {  	s4 =	ssub.s32 $0x0, s20;
	[sflag:s22] =	ssyncset.done $0x0  }
0xa0: {  	[sflag:s22] =	ssyncadd.s32 s4;
	_ =	sdelay $0x1  }
0xa1: {  	s23 =	simm.s32 $0x1B8B  }
0xa2: {  	_ =	swait.ge [sflag:s23], $0x1  }
0xa3: {  	[sflag:s23] =	ssyncset.done $0x0  }
0xa4: {  	s25 =	simm.s32 $0x1B8E;
	s24 =	sld [smem:$0x3FFE];
	[sflag:s23] =	ssyncadd.s32 $0xFFFFFFFF  }
0xa5: {  	s26 =	simm.s32 $execute0_lowered;
	[smem:$0x3FD2] =	sst s25  }
0xa6: {  	s5 =	sshll.u32 s26, $0x1;
	_ =	strace $0x80000046;
	[dreg:$0x1] =	wrdreg $0xFFFFFFFF  }
0xa7: {  	s28 =	simm.s32 $_size_execute0_lowered;
	s3 =	sadd.s32 s3, s5;
	[dreg:$0x0] =	wrdreg $0x0  }
0xa8: {  	s5 =	sshll.u32 s28, $0x1;
	[dreg:$0x2] =	wrdreg s3  }
0xa9: {  	[dreg:$0x3] =	wrdreg s5  }
0xaa: {  	[dreg:$0x4] =	wrdreg $0xC0  }
0xab: {  	_ =	task [dreg:s7], $0x5FFFF  }
0xac: {  	[dreg:$0x1] =	wrdreg $0xFFFFFFFF  }
0xad: {  	[dreg:$0x0] =	wrdreg $0x60  }
0xae: {  	[dreg:$0x2] =	wrdreg s24  }
0xaf: {  	[dreg:$0x3] =	wrdreg s2  }
0xb0: {  	[dreg:$0x4] =	wrdreg $0x0  }
0xb1: {  	[dreg:$0x5] =	wrdreg $0xA0000  }
0xb2: {  	[dreg:$0x6] =	wrdreg $0x140000  }
0xb3: {  	[dreg:$0x7] =	wrdreg $0x9  }
0xb4: {  	_ =	task.clear_ibuf [dreg:s7], $0x8FFFF;
	_ =	strace $0x90000046  }
0xb5: {  	s29 =	simm.s32 $0x9;
	_ =	strace $0x80000048  }
0xb6: {  	_ =	swait.ge [sflag:s29], $0x1  }
0xb7: {  	[sflag:s29] =	ssyncadd.s32 $0xFFFFFFFF  }
0xb8: {  	_ =	strace $0x90000048  }
0xb9: {  	_ =	sfence  }
0xba: {  	s30 =	sld [smem:$0x0];
	_ =	sdelay $0x2  }
0xbb: {  	s31 =	sshll.u32 s1, $0xD;
	s1 =	sshrl.u32 s1, $0x2  }
0xbc: {  	s3 =	sand.u32 $0x4000, s31;
	s1 =	sadd.s32 s1, s30  }
0xbd: {  	s0 =	sor.u32 s3, s0;
	s1 =	sshll.u32 s1, $0x11  }
0xbe: {  	s0 =	sor.u32 s1, s0  }
0xbf: {  	s0 =	sadd.s32 $0x8F2B, s0  }
0xc0: {  	[sflag:s0] =	ssyncadd.remote.s32 $0x1  }
0xc1: {  	_ =	sfence.sel $0xFFFF  }
0xc2: {  	[dreg:$0x0] =	wrdreg $0xFFFFFFFF;
	(pc) =	sbr.abs _section_cstart, $3  }
0xc3: {  	[dreg:$0x1] =	wrdreg $0xFFFFFFFF  }
0xc4: {  	_ =	task.clear_ibuf [dreg:s7], $0x2FFFF;
	_ =	strace $0x9FFFFFFF  }
0xc5: {  	(tm) =	ssettm $0x7FFFFFFF  }
tec
execute0_lowered:
.L_overlay_start_1:
0x0: {  	(tag) =	ssettag $0x1  }
0x1: {  	s0 =	rddreg [dreg:$0x0]  }
0x2: {  	s2 =	rddreg [dreg:$0x2]  }
0x3: {  	s3 =	srdreg.scid;
	s4 =	rddreg [dreg:$0x3]  }
0x4: {  	s1 =	stileid.u32;
	s5 =	rddreg [dreg:$0x4]  }
0x5: {  	s6 =	simm.s32 $0x0;
	s28 =	simm.s32 $0x80;
	s8 =	smul.u32 $0xA000, s1  }
0x6: {  	s30 =	simm.s32 $0x18280;
	s3 =	sand.u32 $0x1, s3;
	s9 =	smul.u32 $0x280, s1  }
0x7: {  	s31 =	simm.s32 $0x1;
	[smem:$0x7FF] =	sst s6;
	s7 =	smul.u32 $0xA0000, s3  }
0x8: {  	s14 =	sadd.s32 $0x29400, s0;
	s18 =	sshll.u32 s1, $0x6;
	s11 =	smul.u32 $0x2800, s3  }
0x9: {  	_ =	strace $0x80000047;
	[dreg:$0x6] =	wrdreg s14;
	s14 =	smul.u32 $0x28000, s1  }
0xa: {  	s12 =	ssub.s32 $0x2, s3;
	s6 =	sor.u32 $0x1C09, s18;
	s1 =	smul.u32 $0x5000, s1  }
0xb: {  	p0 =	sne.s32 s3, $0x0;
	p1 =	seq.s32 s3, $0x0;
	s3 =	simm.s32 $0x6  }
0xc: {  	s18 =	simm.s32 $0x5;
	s13 =	sshrl.u32 s12, $0x1;
	s16 =	sadd.s32 s8, s2  }
0xd: {  	[dreg:$0x8] =	wrdreg s6;
	s10 =	sadd.s32 s8, s7;
	s11 =	sadd.s32 s9, s11  }
0xe: {  	s15 =	ssub.s32 s12, s13;
	s14 =	sshrl.u32 s14, $0x2;
	s12 =	sadd.s32 s9, s5  }
0xf: {  	[dreg:$0xb] =	wrdreg s1;
	s8 =	sadd.s32 s8, s4;
	s26 =	sshrl.u32 s16, $0x3  }
0x10: {  	s13 =	simm.s32 $0x2;
	s16 =	simm.s32 $0x3;
	s1 =	simm.s32 $0x0  }
0x11: {  	s10 =	sshrl.u32 s10, $0x3;
	s11 =	sshrl.u32 s11, $0x3;
	[dreg:$0x13] =	wrdreg s26  }
0x12: {  	s19 =	sadd.s32 s14, s4;
	s21 =	smax.u32 s15, $0x1;
	[dreg:$0xa] =	wrdreg s12  }
0x13: {  	s29 =	sshrl.u32 s8, $0x3;
	s26 =	simm.s32 $0x15280;
	[dreg:$0xe] =	wrdreg s21  }
0x14: {  	s8 =	simm.s32 $0x1A280;
	s14 =	simm.s32 $0x8;
	[dreg:$0x9] =	wrdreg s19  }
0x15: {  	s15 =	simm.s32 $0x1C280;
	s22 =	sadd.s32 $0x2000, s19;
	[dreg:$0x14] =	wrdreg s29  }
0x16: {  	s10 =	sadd.s32 s10, s0;
	s23 =	sadd.s32 $0x4000, s19;
	[dreg:$0xf] =	wrdreg s22  }
0x17: {  	s0 =	sadd.s32 s11, s0;
	s24 =	sadd.s32 $0x6000, s19;
	[dreg:$0x10] =	wrdreg s23  }
.Ltmp0:
0x18: {  	s25 =	sadd.s32 $0x8000, s19;
	[dreg:$0x11] =	wrdreg s24;
	(pc) =	sbr.rel .LBB2_1-.Ltmp0, $4  }
0x19: {  	s21 =	simm.s32 $0x9;
	s17 =	sadd.s32 $0x1400, s10;
	[dreg:$0x12] =	wrdreg s25  }
0x1a: {  	s20 =	sadd.s32 $0x33E00, s10;
	s0 =	sadd.s32 $0x33400, s0;
	[dreg:$0x7] =	wrdreg s17  }
0x1b: {  	s22 =	simm.s32 $0x16280;
	s24 =	simm.s32 $0x14280;
	[dreg:$0xc] =	wrdreg s20  }
0x1c: {  	v0 =	vimm.f32 $0.0e+00;
	v1 =	vimm.f32 $1.000000000e+00;
	s23 =	simm.s32 $0x7;
	[dreg:$0xd] =	wrdreg s0;
	s17 =	simm.s32 $0x4  }
.LBB2_8:
0x1d: {  	[bflag:$0x0] =	sbarrier.arrive $0xFFFF  }
0x1e: {  	s6 =	rddreg [dreg:$0x8]  }
0x1f: {  	s0 =	rddreg [dreg:$0xc]  }
0x20: {  	s1 =	rddreg [dreg:$0x14]  }
0x21: {  	[hbm:s0], [sflag:s6] =	dma.local [spmem:s1], $0x1400  }
0x22: {  	_ =	swait.ge [sflag:s21], $0x1400  }
0x23: {  	[sflag:s21] =	ssyncset.done $0x0;
	s12 =	rddreg [dreg:$0xa]  }
0x24: {  	s20 =	rddreg [dreg:$0xd];
	[sflag:s21] =	ssyncadd.s32 $0xFFFFEC00;
	s19 =	sshrl.u32 s12, $0x3  }
0x25: {  	[hbm:s20], [sflag:s6] =	dma.local [spmem:s19], $0x50  }
0x26: {  	_ =	swait.ge [sflag:s21], $0x50  }
0x27: {  	s25 =	rddreg [dreg:$0x15]  }
0x28: {  	s29 =	rddreg [dreg:$0xe];
	s1 =	sadd.s32 $0x1, s25  }
0x29: {  	p2 =	sne.s32 s1, s29  }
.Ltmp1:
0x2a: {  	_ = 	snop;
	(pc) =	sbr.rel @!p2 .LBB2_9-.Ltmp1, $3  }
0x2b: {  	_ =	sdelay $0x1  }
0x2c: {  	[sflag:s21] =	ssyncset.done $0x0  }
0x2d: {  	[sflag:s21] =	ssyncadd.s32 $0xFFFFFFB0  }
.LBB2_1:
0x2e: {  	s0 =	simm.s32 $0x0  }
0x2f: {  	s9 =	sand.u32 $0x7F00, s0  }
0x30: {  	[dreg:$0x15] =	wrdreg s1;
	s10 =	sand.u32 $0x30, s0;
	s11 =	sshrl.u32 s9, $0x2  }
0x31: {  	s9 =	simm.s32 $0x40;
	s11 =	sor.u32 s10, s11;
	s10 =	simm.s32 $0x0  }
.LBB2_2:
0x32: {  	p2 =	sne.s32 s9, $0x7FC0  }
0x33: {  	[tilespmem:s11+$0x16280] =	vst v0;
	s10 =	sadd.s32 $0x10, s10;
	s11 =	smov.u32 s9;
	s9 =	sadd.s32 $0x40, s9  }
.Ltmp2:
0x34: {  	(pc) =	sbr.rel @p2 .LBB2_2-.Ltmp2, $4  }
0x35: {  	_ = 	snop  }
0x36: {  	s11 =	sand.u32 $0x7F00, s11  }
0x37: {  	s19 =	sand.u32 $0x30, s10;
	s11 =	sshrl.u32 s11, $0x2  }
0x38: {  	s11 =	sor.u32 s19, s11  }
0x39: {  	[tilespmem:s11+$0x16280] =	vst v0  }
0x3a: {  	[tilespmem:$0x1E280] =	vst v1  }
0x3b: {  	[tilespmem:$0x1E290] =	vst v1  }
0x3c: {  	[tilespmem:$0x1E2A0] =	vst v1  }
0x3d: {  	[tilespmem:$0x1E2B0] =	vst v1  }
0x3e: {  	[tilespmem:$0x1E2C0] =	vst v1  }
0x3f: {  	[tilespmem:$0x1E2D0] =	vst v1  }
0x40: {  	[tilespmem:$0x1E2E0] =	vst v1  }
0x41: {  	[tilespmem:$0x1E2F0] =	vst v1  }
0x42: {  	[tilespmem:$0x1E300] =	vst v0  }
0x43: {  	[tilespmem:$0x1E310] =	vst v0  }
0x44: {  	[tilespmem:$0x1E320] =	vst v0  }
0x45: {  	[tilespmem:$0x1E330] =	vst v0  }
0x46: {  	[tilespmem:$0x1E340] =	vst v0  }
0x47: {  	[tilespmem:$0x1E350] =	vst v0  }
0x48: {  	[tilespmem:$0x1E360] =	vst v0  }
0x49: {  	[tilespmem:$0x1E370] =	vst v0  }
0x4a: {  	[tilespmem:$0x1E380] =	vst v0  }
0x4b: {  	[tilespmem:$0x1E390] =	vst v0  }
0x4c: {  	[tilespmem:$0x1E3A0] =	vst v0  }
0x4d: {  	[tilespmem:$0x1E3B0] =	vst v0  }
0x4e: {  	[tilespmem:$0x1E3C0] =	vst v0  }
0x4f: {  	[tilespmem:$0x1E3D0] =	vst v0  }
0x50: {  	[tilespmem:$0x1E3E0] =	vst v0  }
0x51: {  	[tilespmem:$0x1E3F0] =	vst v0  }
0x52: {  	[tilespmem:$0x1E400] =	vst v0  }
0x53: {  	[tilespmem:$0x1E410] =	vst v0  }
0x54: {  	[tilespmem:$0x1E420] =	vst v0  }
0x55: {  	[tilespmem:$0x1E430] =	vst v0  }
0x56: {  	[tilespmem:$0x1E440] =	vst v0  }
0x57: {  	[tilespmem:$0x1E450] =	vst v0  }
0x58: {  	[tilespmem:$0x1E460] =	vst v0  }
0x59: {  	[tilespmem:$0x1E470] =	vst v0  }
0x5a: {  	[tilespmem:$0x1E480] =	vst v0  }
0x5b: {  	[tilespmem:$0x1E490] =	vst v0  }
0x5c: {  	[tilespmem:$0x1E4A0] =	vst v0  }
0x5d: {  	[tilespmem:$0x1E4B0] =	vst v0  }
0x5e: {  	[tilespmem:$0x1E4C0] =	vst v0  }
0x5f: {  	[tilespmem:$0x1E4D0] =	vst v0  }
0x60: {  	[tilespmem:$0x1E4E0] =	vst v0  }
0x61: {  	[tilespmem:$0x1E4F0] =	vst v0  }
0x62: {  	[tilespmem:$0x1E500] =	vst v0  }
0x63: {  	[tilespmem:$0x1E510] =	vst v0  }
0x64: {  	[tilespmem:$0x1E520] =	vst v0  }
0x65: {  	[tilespmem:$0x1E530] =	vst v0  }
0x66: {  	[tilespmem:$0x1E540] =	vst v0  }
0x67: {  	[tilespmem:$0x1E550] =	vst v0  }
0x68: {  	s0 =	rddreg [dreg:$0x7];
	[tilespmem:$0x1E560] =	vst v0  }
0x69: {  	s1 =	rddreg [dreg:$0x13];
	[tilespmem:$0x1E570] =	vst v0  }
0x6a: {  	[spmem:s1], [sflag:s6] =	dma.local [hbm:s0], $0x1400  }
0x6b: {  	_ =	swait.ge [sflag:s21], $0x1400  }
0x6c: {  	[sflag:s21] =	ssyncset.done $0x0  }
0x6d: {  	s10 =	rddreg [dreg:$0x9];
	[sflag:s21] =	ssyncadd.s32 $0xFFFFEC00  }
0x6e: {  	[spmem:s10] =	stream.linear.scatter [tilespmem:s22], [sflag:$0x9], $0x2000, $0x38;
	[tilespmem:$0x1E580] =	vst v63  }
0x6f: {  	_ =	swait.ge [sflag:s21], $0x2000  }
0x70: {  	[sflag:s21] =	ssyncset.done $0x0  }
0x71: {  	s11 =	rddreg [dreg:$0xf];
	[sflag:s21] =	ssyncadd.s32 $0xFFFFE000  }
0x72: {  	[spmem:s11] =	stream.linear.scatter [tilespmem:s22], [sflag:$0x9], $0x2000, $0x38;
	[tilespmem:$0x1E580] =	vst v63  }
0x73: {  	_ =	swait.ge [sflag:s21], $0x2000  }
0x74: {  	[sflag:s21] =	ssyncset.done $0x0  }
0x75: {  	s19 =	rddreg [dreg:$0x10];
	[sflag:s21] =	ssyncadd.s32 $0xFFFFE000  }
0x76: {  	[spmem:s19] =	stream.linear.scatter [tilespmem:s22], [sflag:$0x9], $0x2000, $0x38;
	[tilespmem:$0x1E580] =	vst v63  }
0x77: {  	_ =	swait.ge [sflag:s21], $0x2000  }
0x78: {  	[sflag:s21] =	ssyncset.done $0x0  }
0x79: {  	s20 =	rddreg [dreg:$0x11];
	[sflag:s21] =	ssyncadd.s32 $0xFFFFE000  }
0x7a: {  	[spmem:s20] =	stream.linear.scatter [tilespmem:s22], [sflag:$0x9], $0x2000, $0x38;
	[tilespmem:$0x1E580] =	vst v63  }
0x7b: {  	_ =	swait.ge [sflag:s21], $0x2000  }
0x7c: {  	[sflag:s21] =	ssyncset.done $0x0  }
0x7d: {  	s25 =	rddreg [dreg:$0x12];
	[sflag:s21] =	ssyncadd.s32 $0xFFFFE000  }
0x7e: {  	[spmem:s25] =	stream.linear.scatter [tilespmem:s22], [sflag:$0x9], $0x2000, $0x38;
	[tilespmem:$0x1E580] =	vst v63  }
0x7f: {  	_ =	swait.ge [sflag:s21], $0x2000  }
0x80: {  	[sflag:s21] =	ssyncset.done $0x0  }
0x81: {  	s29 =	simm.s32 $0x1E300;
	[sflag:s21] =	ssyncadd.s32 $0xFFFFE000  }
0x82: {  	[spmem:s12] =	stream.linear.scatter [tilespmem:s29], [sflag:$0x9], $0x280, $0x38;
	[tilespmem:$0x1E580] =	vst v63  }
.Ltmp3:
0x83: {  	_ =	swait.ge [sflag:s21], $0x280;
	(pc) =	sbr.rel .LBB2_4-.Ltmp3, $4  }
0x84: {  	[sflag:s21] =	ssyncset.done $0x0  }
0x85: {  	[sflag:s21] =	ssyncadd.s32 $0xFFFFFD80  }
0x86: {  	[bflag:$0x0] =	sbarrier.arrive $0xFFFF  }
0x87: {  	s20 =	simm.s32 $0x0  }
.LBB2_7:
0x88: {  	_ =	swait.ge [sflag:s18], $0x2000  }
0x89: {  	[sflag:s18] =	ssyncset.done $0x0  }
0x8a: {  	[sflag:s18] =	ssyncadd.s32 $0xFFFFE000  }
0x8b: {  	_ =	swait.ge [sflag:s3], $0x2000  }
0x8c: {  	[sflag:s3] =	ssyncset.done $0x0  }
0x8d: {  	s20 =	sadd.s32 $0x1, s20;
	[sflag:s3] =	ssyncadd.s32 $0xFFFFE000  }
0x8e: {  	p2 =	sne.s32 s20, $0x5;
	_ =	swait.ge [sflag:s23], $0x2000  }
.Ltmp4:
0x8f: {  	[sflag:s23] =	ssyncset.done $0x0;
	(pc) =	sbr.rel @!p2 .LBB2_8-.Ltmp4, $4  }
0x90: {  	[sflag:s23] =	ssyncadd.s32 $0xFFFFE000  }
0x91: {  	_ =	swait.ge [sflag:s14], $0x2000  }
0x92: {  	[sflag:s14] =	ssyncset.done $0x0  }
0x93: {  	[sflag:s14] =	ssyncadd.s32 $0xFFFFE000  }
.LBB2_4:
0x94: {  	s9 =	sshll.u32 s20, $0xC;
	s0 =	rddreg [dreg:$0xb]  }
0x95: {  	s9 =	sadd.s32 s0, s9  }
0x96: {  	s12 =	rddreg [dreg:$0x1];
	s9 =	sshrl.u32 s9, $0x3  }
0x97: {  	s19 =	simm.s32 $0x0;
	s10 =	sadd.s32 s12, s9  }
0x98: {  	[tilespmem:s24], [sflag:$0x9] =	stream.linear.gather [hbm4b:s10+s19], $0x1000, $0x38;
	[tilespmem:$0x1E580] =	vst v63  }
0x99: {  	_ =	swait.ge [sflag:s21], $0x1000  }
0x9a: {  	[sflag:s21] =	ssyncset.done $0x0;
	s1 =	rddreg [dreg:$0x6]  }
0x9b: {  	[sflag:s21] =	ssyncadd.s32 $0xFFFFF000;
	s9 =	sadd.s32 s1, s9  }
0x9c: {  	[tilespmem:s26], [sflag:$0x9] =	stream.linear.gather [hbm4b:s9+s19], $0x1000, $0x38;
	[tilespmem:$0x1E580] =	vst v63  }
0x9d: {  	_ =	swait.ge [sflag:s21], $0x1000  }
0x9e: {  	[sflag:s21] =	ssyncset.done $0x0  }
0x9f: {  	[sflag:s21] =	ssyncadd.s32 $0xFFFFF000  }
0xa0: {  	[tilespmem:s22], [sflag:$0x1] =	stream.indirect.gather [spmem:s2], $0x40, s24, s28, $0xb8;
	[tilespmem:$0x1E580] =	vst v63  }
0xa1: {  	s25 =	simm.s32 $0x14300  }
0xa2: {  	[tilespmem:s30], [sflag:$0x2] =	stream.indirect.gather [spmem:s2], $0x40, s25, s28, $0xb8;
	[tilespmem:$0x1E580] =	vst v63  }
0xa3: {  	_ =	swait.ge [sflag:s31], $0x2000  }
0xa4: {  	[sflag:s31] =	ssyncset.done $0x0  }
0xa5: {  	[sflag:s31] =	ssyncadd.s32 $0xFFFFE000  }
0xa6: {  	[spmem:s4] =	stream.indirect.scatter.add.f32 [tilespmem:s22], [sflag:$0x5], $0x40, s26, s28, $0xb8;
	[tilespmem:$0x1E580] =	vst v63  }
0xa7: {  	s11 =	simm.s32 @p0 $0x1A280;
	s10 =	simm.s32 @p0 $0x14380;
	s9 =	simm.s32 @p0 $0x80  }
0xa8: {  	[tilespmem:s11], [sflag:$0x3] =	stream.indirect.gather @p0 [spmem:s2], $0x40, s10, s9, $0xb8;
	[tilespmem:$0x1E580] =	vst v63  }
0xa9: {  	s10 =	simm.s32 @p0 $0x2  }
0xaa: {  	_ =	swait.ge @p0 [sflag:s10], $0x2000  }
0xab: {  	[sflag:s10] =	ssyncset.done @p0 $0x0  }
0xac: {  	s19 =	simm.s32 @p0 $0x18280;
	[sflag:s10] =	ssyncadd.s32 @p0 $0xFFFFE000;
	s10 =	simm.s32 @p0 $0x15300  }
0xad: {  	[spmem:s4] =	stream.indirect.scatter.add.f32 @p0 [tilespmem:s19], [sflag:$0x6], $0x40, s10, s9, $0xb8;
	[tilespmem:$0x1E580] =	vst v63  }
0xae: {  	s19 =	simm.s32 @p0 $0x1E280  }
0xaf: {  	[spmem:s5] =	stream.indirect.scatter.add.f32 @p0 [tilespmem:s19], [sflag:$0x9], $0x1, s10, s9, $0xb8;
	[tilespmem:$0x1E580] =	vst v63  }
0xb0: {  	s10 =	simm.s32 @p0 $0x9  }
0xb1: {  	_ =	swait.ge @p0 [sflag:s10], $0x80  }
0xb2: {  	[sflag:s10] =	ssyncset.done @p0 $0x0  }
0xb3: {  	s1 =	simm.s32 @p0 $0x1C280;
	s25 =	simm.s32 @p0 $0x14400;
	[sflag:s10] =	ssyncadd.s32 @p0 $0xFFFFFF80  }
0xb4: {  	[tilespmem:s1], [sflag:$0x4] =	stream.indirect.gather @p0 [spmem:s2], $0x40, s25, s9, $0xb8;
	[tilespmem:$0x1E580] =	vst v63  }
0xb5: {  	s25 =	simm.s32 @p0 $0x3  }
0xb6: {  	_ =	swait.ge @p0 [sflag:s25], $0x2000  }
0xb7: {  	[sflag:s25] =	ssyncset.done @p0 $0x0  }
0xb8: {  	[sflag:s25] =	ssyncadd.s32 @p0 $0xFFFFE000;
	s25 =	simm.s32 @p0 $0x15380  }
0xb9: {  	[spmem:s4] =	stream.indirect.scatter.add.f32 @p0 [tilespmem:s11], [sflag:$0x7], $0x40, s25, s9, $0xb8;
	[tilespmem:$0x1E580] =	vst v63  }
0xba: {  	s11 =	simm.s32 @p0 $0x5  }
0xbb: {  	_ =	swait.ge @p0 [sflag:s11], $0x2000  }
0xbc: {  	[sflag:s11] =	ssyncset.done @p0 $0x0  }
0xbd: {  	s25 =	simm.s32 @p0 $0x16280;
	[sflag:s11] =	ssyncadd.s32 @p0 $0xFFFFE000;
	s11 =	simm.s32 @p0 $0x14480  }
0xbe: {  	[tilespmem:s25], [sflag:$0x1] =	stream.indirect.gather @p0 [spmem:s2], $0x40, s11, s9, $0xb8;
	[tilespmem:$0x1E580] =	vst v63  }
0xbf: {  	s11 =	simm.s32 @p0 $0x4  }
0xc0: {  	_ =	swait.ge @p0 [sflag:s11], $0x2000  }
0xc1: {  	[sflag:s11] =	ssyncset.done @p0 $0x0  }
0xc2: {  	[sflag:s11] =	ssyncadd.s32 @p0 $0xFFFFE000;
	s11 =	simm.s32 @p0 $0x15400  }
0xc3: {  	[spmem:s4] =	stream.indirect.scatter.add.f32 @p0 [tilespmem:s1], [sflag:$0x8], $0x40, s11, s9, $0xb8;
	[tilespmem:$0x1E580] =	vst v63  }
0xc4: {  	_ = 	snop  }
0xc5: {  	[spmem:s5] =	stream.indirect.scatter.add.f32 @p0 [tilespmem:s19], [sflag:$0x9], $0x1, s11, s9, $0xb8;
	[tilespmem:$0x1E580] =	vst v63  }
0xc6: {  	_ =	swait.ge @p0 [sflag:s10], $0x80  }
0xc7: {  	s25 =	simm.s32 @!p0 $0x80;
	s1 =	simm.s32 @!p0 $0x15280;
	[sflag:s10] =	ssyncset.done @p0 $0x0  }
0xc8: {  	s11 =	simm.s32 @!p0 $0x9;
	[sflag:s10] =	ssyncadd.s32 @p0 $0xFFFFFF80;
	s10 =	simm.s32 @!p0 $0x1E280  }
0xc9: {  	[spmem:s5] =	stream.indirect.scatter.add.f32 @!p0 [tilespmem:s10], [sflag:$0x9], $0x1, s1, s25, $0xb8;
	[tilespmem:$0x1E580] =	vst v63  }
0xca: {  	_ =	swait.ge @!p0 [sflag:s11], $0x80  }
0xcb: {  	[sflag:s11] =	ssyncset.done @!p0 $0x0  }
0xcc: {  	s9 =	simm.s32 @!p0 $0x1A280;
	s1 =	simm.s32 @!p0 $0x14380;
	[sflag:s11] =	ssyncadd.s32 @!p0 $0xFFFFFF80  }
0xcd: {  	[tilespmem:s9], [sflag:$0x3] =	stream.indirect.gather @!p0 [spmem:s2], $0x40, s1, s25, $0xb8;
	[tilespmem:$0x1E580] =	vst v63  }
0xce: {  	s1 =	simm.s32 @!p0 $0x2  }
0xcf: {  	_ =	swait.ge @!p0 [sflag:s1], $0x2000  }
0xd0: {  	[sflag:s1] =	ssyncset.done @!p0 $0x0  }
0xd1: {  	s19 =	simm.s32 @!p0 $0x18280;
	[sflag:s1] =	ssyncadd.s32 @!p0 $0xFFFFE000;
	s1 =	simm.s32 @!p0 $0x15300  }
0xd2: {  	[spmem:s4] =	stream.indirect.scatter.add.f32 @!p0 [tilespmem:s19], [sflag:$0x6], $0x40, s1, s25, $0xb8;
	[tilespmem:$0x1E580] =	vst v63  }
0xd3: {  	s1 =	simm.s32 @!p0 $0x14400;
	s19 =	simm.s32 @!p0 $0x1C280  }
0xd4: {  	[tilespmem:s19], [sflag:$0x4] =	stream.indirect.gather @!p0 [spmem:s2], $0x40, s1, s25, $0xb8;
	[tilespmem:$0x1E580] =	vst v63  }
0xd5: {  	s1 =	simm.s32 @!p0 $0x3  }
0xd6: {  	_ =	swait.ge @!p0 [sflag:s1], $0x2000  }
0xd7: {  	[sflag:s1] =	ssyncset.done @!p0 $0x0  }
0xd8: {  	[sflag:s1] =	ssyncadd.s32 @!p0 $0xFFFFE000;
	s1 =	simm.s32 @!p0 $0x15380  }
0xd9: {  	[spmem:s4] =	stream.indirect.scatter.add.f32 @!p0 [tilespmem:s9], [sflag:$0x7], $0x40, s1, s25, $0xb8;
	[tilespmem:$0x1E580] =	vst v63  }
0xda: {  	_ = 	snop  }
0xdb: {  	[spmem:s5] =	stream.indirect.scatter.add.f32 @!p0 [tilespmem:s10], [sflag:$0x9], $0x1, s1, s25, $0xb8;
	[tilespmem:$0x1E580] =	vst v63  }
0xdc: {  	_ =	swait.ge @!p0 [sflag:s11], $0x80  }
0xdd: {  	[sflag:s11] =	ssyncset.done @!p0 $0x0  }
0xde: {  	s1 =	simm.s32 @!p0 $0x5;
	[sflag:s11] =	ssyncadd.s32 @!p0 $0xFFFFFF80  }
0xdf: {  	_ =	swait.ge @!p0 [sflag:s1], $0x2000  }
0xe0: {  	[sflag:s1] =	ssyncset.done @!p0 $0x0  }
0xe1: {  	s9 =	simm.s32 @!p0 $0x16280;
	[sflag:s1] =	ssyncadd.s32 @!p0 $0xFFFFE000;
	s1 =	simm.s32 @!p0 $0x14480  }
0xe2: {  	[tilespmem:s9], [sflag:$0x1] =	stream.indirect.gather @!p0 [spmem:s2], $0x40, s1, s25, $0xb8;
	[tilespmem:$0x1E580] =	vst v63  }
0xe3: {  	s1 =	simm.s32 @!p0 $0x4  }
0xe4: {  	_ =	swait.ge @!p0 [sflag:s1], $0x2000  }
0xe5: {  	[sflag:s1] =	ssyncset.done @!p0 $0x0  }
0xe6: {  	[sflag:s1] =	ssyncadd.s32 @!p0 $0xFFFFE000;
	s1 =	simm.s32 @!p0 $0x15400  }
0xe7: {  	[spmem:s4] =	stream.indirect.scatter.add.f32 @!p0 [tilespmem:s19], [sflag:$0x8], $0x40, s1, s25, $0xb8;
	[tilespmem:$0x1E580] =	vst v63  }
0xe8: {  	_ =	swait.ge [sflag:s3], $0x2000  }
0xe9: {  	[sflag:s3] =	ssyncset.done $0x0  }
0xea: {  	s29 =	simm.s32 $0x14500;
	s9 =	simm.s32 $0x0;
	[sflag:s3] =	ssyncadd.s32 $0xFFFFE000  }
0xeb: {  	[tilespmem:s30], [sflag:$0x2] =	stream.indirect.gather [spmem:s2], $0x40, s29, s28, $0xb8;
	[tilespmem:$0x1E580] =	vst v63  }
.LBB2_5:
0xec: {  	_ =	swait.ge [sflag:s31], $0x2000  }
0xed: {  	s19 =	sshra.s32 s9, $0x2;
	[sflag:s31] =	ssyncset.done $0x0  }
0xee: {  	s1 =	sadd.s32 $0x15480, s19;
	[sflag:s31] =	ssyncadd.s32 $0xFFFFE000  }
0xef: {  	[spmem:s4] =	stream.indirect.scatter.add.f32 [tilespmem:s22], [sflag:$0x5], $0x40, s1, s28, $0xb8;
	[tilespmem:$0x1E580] =	vst v63  }
0xf0: {  	_ = 	snop  }
0xf1: {  	[spmem:s5] =	stream.indirect.scatter.add.f32 @!p0 [tilespmem:s10], [sflag:$0x9], $0x1, s1, s25, $0xb8;
	[tilespmem:$0x1E580] =	vst v63  }
0xf2: {  	_ =	swait.ge @!p0 [sflag:s11], $0x80  }
0xf3: {  	[sflag:s11] =	ssyncset.done @!p0 $0x0  }
0xf4: {  	[sflag:s11] =	ssyncadd.s32 @!p0 $0xFFFFFF80  }
0xf5: {  	_ =	swait.ge [sflag:s23], $0x2000  }
0xf6: {  	[sflag:s23] =	ssyncset.done $0x0  }
0xf7: {  	s29 =	sadd.s32 $0x14580, s19;
	[sflag:s23] =	ssyncadd.s32 $0xFFFFE000  }
0xf8: {  	[tilespmem:s8], [sflag:$0x3] =	stream.indirect.gather [spmem:s2], $0x40, s29, s28, $0xb8;
	[tilespmem:$0x1E580] =	vst v63  }
0xf9: {  	_ =	swait.ge [sflag:s13], $0x2000  }
0xfa: {  	[sflag:s13] =	ssyncset.done $0x0  }
0xfb: {  	s1 =	sadd.s32 $0x15500, s19;
	[sflag:s13] =	ssyncadd.s32 $0xFFFFE000  }
0xfc: {  	[spmem:s4] =	stream.indirect.scatter.add.f32 [tilespmem:s30], [sflag:$0x6], $0x40, s1, s28, $0xb8;
	[tilespmem:$0x1E580] =	vst v63  }
0xfd: {  	s0 =	simm.s32 @!p1 $0x1E280;
	s29 =	simm.s32 @!p1 $0x80  }
0xfe: {  	[spmem:s5] =	stream.indirect.scatter.add.f32 @!p1 [tilespmem:s0], [sflag:$0x9], $0x1, s1, s29, $0xb8;
	[tilespmem:$0x1E580] =	vst v63  }
0xff: {  	s1 =	simm.s32 @!p1 $0x9  }
0x100: {  	_ =	swait.ge @!p1 [sflag:s1], $0x80  }
0x101: {  	[sflag:s1] =	ssyncset.done @!p1 $0x0  }
0x102: {  	[sflag:s1] =	ssyncadd.s32 @!p1 $0xFFFFFF80  }
0x103: {  	_ =	swait.ge [sflag:s14], $0x2000  }
0x104: {  	[sflag:s14] =	ssyncset.done $0x0  }
0x105: {  	s7 =	sadd.s32 $0x14600, s19;
	[sflag:s14] =	ssyncadd.s32 $0xFFFFE000  }
0x106: {  	[tilespmem:s15], [sflag:$0x4] =	stream.indirect.gather [spmem:s2], $0x40, s7, s28, $0xb8;
	[tilespmem:$0x1E580] =	vst v63  }
0x107: {  	_ =	swait.ge [sflag:s16], $0x2000  }
0x108: {  	[sflag:s16] =	ssyncset.done $0x0  }
0x109: {  	s7 =	sadd.s32 $0x15580, s19;
	[sflag:s16] =	ssyncadd.s32 $0xFFFFE000  }
0x10a: {  	[spmem:s4] =	stream.indirect.scatter.add.f32 [tilespmem:s8], [sflag:$0x7], $0x40, s7, s28, $0xb8;
	[tilespmem:$0x1E580] =	vst v63  }
0x10b: {  	_ = 	snop  }
0x10c: {  	[spmem:s5] =	stream.indirect.scatter.add.f32 @!p0 [tilespmem:s10], [sflag:$0x9], $0x1, s7, s25, $0xb8;
	[tilespmem:$0x1E580] =	vst v63  }
0x10d: {  	_ =	swait.ge @!p0 [sflag:s11], $0x80  }
0x10e: {  	p2 =	seq.s32 s9, $0x3000;
	[sflag:s11] =	ssyncset.done @!p0 $0x0  }
0x10f: {  	s7 =	simm.s32 @!p2 $0x5;
	[sflag:s11] =	ssyncadd.s32 @!p0 $0xFFFFFF80  }
0x110: {  	_ =	swait.ge @!p2 [sflag:s7], $0x2000  }
0x111: {  	[sflag:s7] =	ssyncset.done @!p2 $0x0  }
0x112: {  	[sflag:s7] =	ssyncadd.s32 @!p2 $0xFFFFE000;
	s7 =	sshra.s32 @!p2 s9, $0x2  }
0x113: {  	s6 =	simm.s32 @!p2 $0x80;
	s12 =	simm.s32 @!p2 $0x16280;
	s7 =	sadd.s32 @!p2 $0x14680, s7  }
0x114: {  	[tilespmem:s12], [sflag:$0x1] =	stream.indirect.gather @!p2 [spmem:s2], $0x40, s7, s6, $0xb8;
	[tilespmem:$0x1E580] =	vst v63  }
0x115: {  	_ =	swait.ge [sflag:s17], $0x2000  }
0x116: {  	[sflag:s17] =	ssyncset.done $0x0  }
0x117: {  	s6 =	sadd.s32 $0x15600, s19;
	[sflag:s17] =	ssyncadd.s32 $0xFFFFE000  }
0x118: {  	[spmem:s4] =	stream.indirect.scatter.add.f32 [tilespmem:s15], [sflag:$0x8], $0x40, s6, s28, $0xb8;
	[tilespmem:$0x1E580] =	vst v63  }
.Ltmp5:
0x119: {  	_ = 	snop;
	(pc) =	sbr.rel @p2 .LBB2_7-.Ltmp5, $4  }
0x11a: {  	[spmem:s5] =	stream.indirect.scatter.add.f32 @!p1 [tilespmem:s0], [sflag:$0x9], $0x1, s6, s29, $0xb8;
	[tilespmem:$0x1E580] =	vst v63  }
0x11b: {  	_ =	swait.ge @!p1 [sflag:s1], $0x80  }
0x11c: {  	[sflag:s1] =	ssyncset.done @!p1 $0x0  }
0x11d: {  	[sflag:s1] =	ssyncadd.s32 @!p1 $0xFFFFFF80  }
.Ltmp6:
0x11e: {  	(pc) =	sbr.rel .LBB2_5-.Ltmp6, $4  }
0x11f: {  	_ =	swait.ge [sflag:s3], $0x2000  }
0x120: {  	[sflag:s3] =	ssyncset.done $0x0  }
0x121: {  	s0 =	sadd.s32 $0x14700, s19;
	s9 =	sadd.s32 $0x800, s9;
	[sflag:s3] =	ssyncadd.s32 $0xFFFFE000  }
0x122: {  	[tilespmem:s30], [sflag:$0x2] =	stream.indirect.gather [spmem:s2], $0x40, s0, s28, $0xb8;
	[tilespmem:$0x1E580] =	vst v63  }
.LBB2_9:
0x123: {  	_ =	sfence.sel $0x180000  }
0x124: {  	[bflag:$0x0] =	sbarrier.arrive $0xFFFF  }
0x125: {  	_ =	strace $0x90000047  }
0x126: {  	s0 =	stileid.u32;
	[bflag:$0x2] =	sbarrier.arrive $0xFFFF  }
0x127: {  	p0 =	sne.s32 s0, $0x0;
	s0 =	rddreg [dreg:$0x5]  }
0x128: {  	s0 =	sadd.s32 @!p0 $0x100000, s0  }
0x129: {  	[sflag:s0] =	ssyncadd.tile.s32 @!p0 $0x1;
	_ =	shalt  }
.Lfunc_end2:
_tile_overlayer_lowered:
.L_overlay_start_2:
0x12a: {  	(tag) =	ssettag $0x2  }
0x12b: {  	s0 =	rddreg [dreg:$0x0];
	s2 =	stileid.u32  }
0x12c: {  	s1 =	rddreg [dreg:$0x1];
	p0 =	sne.s32 s2, $0x0  }
0x12d: {  	s3 =	rddreg [dreg:$0x2];
	[bflag:$0x3] =	sbarrier.arrive $0xFFFF;
	s2 =	simm.s32 @!p0 $0x1C09  }
0x12e: {  	[timem:s3], [sflag:s2] =	dma.local @!p0 [hbm:s0], s1  }
0x12f: {  	s0 =	simm.s32 @!p0 $0x9  }
0x130: {  	_ =	swait.ge @!p0 [sflag:s0], s1  }
0x131: {  	s1 =	ssub.s32 @!p0 $0x0, s1;
	[sflag:s0] =	ssyncset.done @!p0 $0x0  }
0x132: {  	[sflag:s0] =	ssyncadd.s32 @!p0 s1  }
0x133: {  	[bflag:$0x3] =	sbarrier.arrive $0xFFFF  }
0x134: {  	_ =	shalt  }

</sc_bundles>
